<compile_context>
chip_gen: v7x
topology: tpu7x:2x2x1
jax: 0.10.2.dev20260603
libtpu: 0.0.44.dev20260713+nightly
codegen_flags: <defaults>
</compile_context>

<pallas_src>
import functools

import jax
import jax.numpy as jnp
from jax import lax
from jax.experimental import pallas as pl
from jax.experimental.pallas import tpu as pltpu
from jax.experimental.pallas import tpu_sc as plsc
_L = 512
_MIN_DIST = 4
_NS = 16
_NROWS = _L // _NS
_NCH = _L // 16


def _mask_kernel(con_ref, seq_ref, out_ref):
    f32 = jnp.float32
    c = con_ref[...]
    c = (c + c.T) * 0.5

    ri = lax.broadcasted_iota(jnp.int32, (_L, _L), 0)
    ci = lax.broadcasted_iota(jnp.int32, (_L, _L), 1)
    band = jnp.abs(ri - ci) >= _MIN_DIST

    s = seq_ref[...]
    best = s[0:1, :]
    prime = jnp.full((1, _L), 2.0, f32)
    for k, p in ((1, 3.0), (2, 5.0), (3, 7.0)):
        sk = s[k : k + 1, :]
        upd = sk > best
        best = jnp.where(upd, sk, best)
        prime = jnp.where(upd, p, prime)
    pcols = jnp.broadcast_to(prime, (_L, _L))
    prows = pcols.T
    prod = pcols * prows
    pmask = (prod == 14.0) | (prod == 15.0) | (prod == 35.0)

    conm = jnp.where(band & pmask, c, 0.0)
    out_ref[...] = jnp.where(conm > 0.0, conm, 0.0)


def _greedy_sc_body(a_hbm, out_hbm, av, outv, alive, rmaxv, argv, strm, starg,
                    partner, rmax_sh, arg_sh):
    cid = lax.axis_index("c")
    sid = lax.axis_index("s")
    base = sid * _NROWS
    lanes = lax.broadcasted_iota(jnp.int32, (16,), 0)
    zeros16 = jnp.zeros((16,), jnp.float32)
    zeros16i = jnp.zeros((16,), jnp.int32)

    pltpu.sync_copy(a_hbm.at[pl.ds(base * _L, _NROWS * _L)], av)

    def _init_alive(k, x):
        alive[pl.ds(k * 16, 16)] = jnp.ones((16,), jnp.float32)
        return x
    lax.fori_loop(0, _NCH, _init_alive, 0, unroll=8)

    def _init_out(k, x):
        outv[pl.ds(k * 16, 16)] = zeros16
        return x
    lax.fori_loop(0, _NROWS * _NCH, _init_out, 0, unroll=8)

    neg1 = jnp.full((16,), -1, jnp.int32)
    for g in range(_NROWS // 16):
        partner[pl.ds(g * 16, 16)] = neg1

    def _round(gmax_prev):
        for g in range(_NROWS // 16):
            aliveg = alive[pl.ds(base + g * 16, 16)]

            def _row(rl, carry, aliveg=aliveg, g=g):
                live_r = jnp.any((lanes == rl) & (aliveg > 0.0))

                def _do_row(cr):
                    rvec, cvec = cr
                    rowoff = (g * 16 + rl) * _L

                    def _chunk(k, mm):
                        mv, mc = mm
                        v = av[pl.ds(rowoff + k * 16, 16)] * alive[pl.ds(k * 16, 16)]
                        cols = k * 16 + lanes
                        upd = v > mv
                        mv = jnp.where(upd, v, mv)
                        mc = jnp.where(upd, cols, mc)
                        return mv, mc

                    mv, mc = lax.fori_loop(
                        0, _NCH, _chunk, (zeros16, zeros16i), unroll=4
                    )
                    for sh in (8, 4, 2, 1):
                        idx = jnp.bitwise_xor(lanes, sh)
                        pv = jnp.take_along_axis(mv, idx, axis=0, mode="promise_in_bounds")
                        pc = jnp.take_along_axis(mc, idx, axis=0, mode="promise_in_bounds")
                        take = (pv > mv) | ((pv == mv) & (pc < mc))
                        mv = jnp.where(take, pv, mv)
                        mc = jnp.where(take, pc, mc)
                    rvec = jnp.where(lanes == rl, mv, rvec)
                    cvec = jnp.where(lanes == rl, mc, cvec)
                    return rvec, cvec

                return lax.cond(live_r, _do_row, lambda cr: cr, carry)

            def _do_group(_, g=g):
                return lax.fori_loop(0, 16, _row, (zeros16, zeros16i))

            grp_live = jnp.any(aliveg > 0.0)
            rvec, cvec = lax.cond(
                grp_live, _do_group, lambda _: (zeros16, zeros16i), 0
            )
            strm[pl.ds(g * 16, 16)] = rvec
            starg[pl.ds(g * 16, 16)] = cvec

        pltpu.sync_copy(strm, rmax_sh.at[pl.ds(base, _NROWS)])
        pltpu.sync_copy(starg, arg_sh.at[pl.ds(base, _NROWS)])

        plsc.subcore_barrier()
        pltpu.sync_copy(rmax_sh, rmaxv)
        pltpu.sync_copy(arg_sh, argv)
        plsc.subcore_barrier()

        def _sweep(k, gm):
            rv = rmaxv[pl.ds(k * 16, 16)]

            def _do(gmx):
                a = argv[pl.ds(k * 16, 16)]
                pa = plsc.load_gather(argv, [a])
                ids = k * 16 + lanes
                mnew = (rv > 0.0) & (pa == ids)
                alive[pl.ds(k * 16, 16)] = jnp.where(
                    mnew, 0.0, alive[pl.ds(k * 16, 16)]
                )
                return jnp.maximum(gmx, rv)

            return lax.cond(jnp.any(rv > 0.0), _do, lambda x: x, gm)

        gmv = lax.fori_loop(0, _NCH, _sweep, zeros16)
        cont = jnp.any(gmv > 0.0)

        for g in range(_NROWS // 16):
            k = (base // 16) + g
            rv = rmaxv[pl.ds(k * 16, 16)]

            def _do_rec(x, k=k, g=g, rv=rv):
                a = argv[pl.ds(k * 16, 16)]
                pa = plsc.load_gather(argv, [a])
                ids = k * 16 + lanes
                mnew = (rv > 0.0) & (pa == ids)
                pc = partner[pl.ds(g * 16, 16)]
                partner[pl.ds(g * 16, 16)] = jnp.where(mnew, a, pc)
                return x

            lax.cond(jnp.any(rv > 0.0), _do_rec, lambda x: x, 0)
        return cont

    def _round_step(r, cont_prev):
        del r
        return lax.cond(cont_prev, _round, lambda c: c, cont_prev)

    lax.fori_loop(0, _L // 2, _round_step, jnp.bool_(True))

    for g in range(_NROWS // 16):
        pc = partner[pl.ds(g * 16, 16)]
        ok = pc >= 0
        pcc = jnp.where(ok, pc, 0)
        flat = (g * 16 + lanes) * _L + pcc
        vals = plsc.load_gather(av, [flat], mask=ok)
        plsc.store_scatter(outv, [flat], vals, mask=ok)

    @pl.when(cid == 0)
    def _():
        pltpu.sync_copy(outv, out_hbm.at[pl.ds(base * _L, _NROWS * _L)])


@functools.cache
def _build_greedy_sc():
    sc_mesh = plsc.VectorSubcoreMesh(
        core_axis_name="c", subcore_axis_name="s", num_cores=2, num_subcores=_NS
    )
    return pl.kernel(
        _greedy_sc_body,
        out_type=jax.ShapeDtypeStruct((_L * _L,), jnp.float32),
        mesh=sc_mesh,
        compiler_params=pltpu.CompilerParams(needs_layout_passes=False),
        scratch_types=[
            pltpu.VMEM((_NROWS * _L,), jnp.float32),
            pltpu.VMEM((_NROWS * _L,), jnp.float32),
            pltpu.VMEM((_L,), jnp.float32),
            pltpu.VMEM((_L,), jnp.float32),
            pltpu.VMEM((_L,), jnp.int32),
            pltpu.VMEM((_NROWS,), jnp.float32),
            pltpu.VMEM((_NROWS,), jnp.int32),
            pltpu.VMEM((_NROWS,), jnp.int32),
            pltpu.VMEM_SHARED((_L,), jnp.float32),
            pltpu.VMEM_SHARED((_L,), jnp.int32),
        ],
    )


def kernel(con, feat):
    con2 = con.reshape(_L, _L)
    seq = feat[0, :, :, 0]
    a0 = pl.pallas_call(
        _mask_kernel,
        out_shape=jax.ShapeDtypeStruct((_L, _L), jnp.float32),
    )(con2, seq)
    out = _build_greedy_sc()(a0.reshape(_L * _L))
    return out.reshape(con.shape)

# --- scband reference (transcript-rebuilt; emitter-appended) ---
"""Pipeline reference for scband-greedy-33981781246429 (READ-ONLY COPY).

The authoritative reference and input builder live on the scoring server;
editing this copy changes nothing except your own understanding.
"""

import jax, jax.numpy as jnp
import numpy as np

# Module-level globals assumed by the torch code (standard RNA post-processing constants):
# BASE_PRIMES = primes for A,C,G,U; PAIRS = products of canonical pairs AU=2*7, CG=3*5, GU=5*7; MIN_DIST = 4
BASE_PRIMES = jnp.array([2, 3, 5, 7], dtype=jnp.int32)
PAIRS = (14, 15, 35)
MIN_DIST = 4
L = 512


def setup_inputs(seed: int = 0) -> dict:
    key = jax.random.key(seed)
    k1, k2 = jax.random.split(key)
    con = jax.random.normal(k1, (1, 1, L, L), dtype=jnp.float32)
    feat = jax.random.normal(k2, (1, 8, L, L), dtype=jnp.float32)
    return {"con": con, "feat": feat}


def _greedy_mask(con_):
    Ln = con_.shape[0]
    con_flat = jax.lax.stop_gradient(con_.reshape(-1))
    # torch: argsort(descending=True)
    idxs = jnp.argsort(-con_flat)
    ii = (idxs % Ln).astype(jnp.int32)
    jj = (idxs // Ln).astype(jnp.int32)
    gt = Ln // 2  # min(inf, L // 2)

    def step(carry, ij):
        memo, num = carry
        i, j = ij
        ok = (~memo[i]) & (~memo[j]) & (num < gt)
        memo = memo.at[i].set(memo[i] | ok)
        memo = memo.at[j].set(memo[j] | ok)
        num = num + ok.astype(jnp.int32)
        return (memo, num), ok

    init = (jnp.zeros(Ln, dtype=bool), jnp.int32(0))
    (_, _), accepted = jax.lax.scan(step, init, (ii, jj))
    m = jnp.zeros((Ln, Ln), dtype=jnp.int32).at[ii, jj].add(accepted.astype(jnp.int32))
    return (m + m.T) > 0


def reference(con, feat):
    # Symmetrize
    c = (con + jnp.swapaxes(con, -1, -2)) / 2
    # RemoveSharp: tril(-MIN_DIST) + triu(MIN_DIST)
    c = jnp.tril(c, -MIN_DIST) + jnp.triu(c, MIN_DIST)
    # Canonicalize
    con_ = jnp.squeeze(c)
    seq = jnp.squeeze(feat)[: BASE_PRIMES.shape[0], :, 0]
    pairs = BASE_PRIMES[jnp.argmax(seq, axis=0)]
    pair_mat = jnp.outer(pairs, pairs)
    pair_mask = jnp.zeros(con_.shape, dtype=bool)
    for p in PAIRS:
        pair_mask = jnp.logical_or(pair_mask, pair_mat == p)
    con_ = jnp.where(pair_mask, con_, 0.0)
    # Greedy pair selection (sequential NMS-style matching)
    one_mask = _greedy_mask(con_)
    out = jnp.where(one_mask, con_, 0.0)
    return out.reshape(con.shape)

if __name__ == "__main__":
    import jax
    _d = setup_inputs()
    print(jax.jit(kernel)(*tuple(_d.values())))

</pallas_src>

<mosaic_0001>
#map = affine_map<(d0, d1) -> (0)>
module attributes {stable_mosaic.version = 14 : i64} {
  func.func @_greedy_sc_body(%arg0: i32, %arg1: i32, %arg2: memref<262144xf32, #tpu.memory_space<hbm>>, %arg3: memref<262144xf32, #tpu.memory_space<hbm>>, %arg4: memref<16384xf32, #tpu.memory_space<vmem>>, %arg5: memref<16384xf32, #tpu.memory_space<vmem>>, %arg6: memref<512xf32, #tpu.memory_space<vmem>>, %arg7: memref<512xf32, #tpu.memory_space<vmem>>, %arg8: memref<512xi32, #tpu.memory_space<vmem>>, %arg9: memref<32xf32, #tpu.memory_space<vmem>>, %arg10: memref<32xi32, #tpu.memory_space<vmem>>, %arg11: memref<32xi32, #tpu.memory_space<vmem>>, %arg12: memref<512xf32, #tpu.memory_space<vmem_shared>>, %arg13: memref<512xi32, #tpu.memory_space<vmem_shared>>) attributes {dimension_semantics = [#tpu.dimension_semantics<core_parallel>, #tpu.dimension_semantics<subcore_parallel>], iteration_bounds = array<i64: 2, 16>, scalar_prefetch = 0 : i64, scratch_operands = 10 : i64, tpu.core_type = #tpu.core_type<sc_vector_subcore>, window_params = [{transform_indices = #map}, {transform_indices = #map}]} {
    %mul3A = arith.constant 32 : i32
    %mul3A_0 = arith.muli %arg1, %mul3A : i32
    %iota3A = tpu.iota {dimensions = array<i32: 0>} : vector<16xi32>
    %broadcast_in_dim3A = arith.constant 0.000000e+00 : f32
    %broadcast_in_dim3A_1 = vector.broadcast %broadcast_in_dim3A : f32 to vector<16xf32>
    %broadcast_in_dim3A_2 = arith.constant 0 : i32
    %broadcast_in_dim3A_3 = vector.broadcast %broadcast_in_dim3A_2 : i32 to vector<16xi32>
    %mul3A_4 = arith.constant 512 : i32
    %mul3A_5 = arith.muli %mul3A_0, %mul3A_4 : i32
    "tpu.region"() ({
      %run_scoped3A = tpu.sem_alloc : memref<!tpu.dma_semaphore, #tpu.memory_space<semaphore_mem>>
      %dma_start3A = tpu.memref_slice %arg2[%mul3A_5] : memref<262144xf32, #tpu.memory_space<hbm>> -> memref<16384xf32, #tpu.memory_space<hbm>>
      %dma_start3A_57 = tpu.memref_slice %arg2[%mul3A_5] : memref<262144xf32, #tpu.memory_space<hbm>> -> memref<16384xf32, #tpu.memory_space<hbm>>
      tpu.enqueue_dma source(%dma_start3A_57 : memref<16384xf32, #tpu.memory_space<hbm>>) target(%arg4 : memref<16384xf32, #tpu.memory_space<vmem>>) target_semaphore(%run_scoped3A : memref<!tpu.dma_semaphore, #tpu.memory_space<semaphore_mem>>)
      %dma_wait3A = tpu.memref_slice %arg2[%mul3A_5] : memref<262144xf32, #tpu.memory_space<hbm>> -> memref<16384xf32, #tpu.memory_space<hbm>>
      %dma_wait3A_58 = tpu.memref_slice %arg2[%mul3A_5] : memref<262144xf32, #tpu.memory_space<hbm>> -> memref<16384xf32, #tpu.memory_space<hbm>>
      tpu.wait_dma2 semaphore(%run_scoped3A : memref<!tpu.dma_semaphore, #tpu.memory_space<semaphore_mem>>) src(%dma_wait3A_58 : memref<16384xf32, #tpu.memory_space<hbm>>) dst(%arg4 : memref<16384xf32, #tpu.memory_space<vmem>>)
      tpu.yield
    }) : () -> ()
    %scan3A = arith.constant 0 : i32
    %scan3A_6 = arith.constant 0 : i32
    %scan3A_7 = arith.constant 32 : i32
    %scan3A_8 = arith.addi %scan3A_6, %scan3A_7 : i32
    %scan3A_9 = arith.constant 8 : i32
    scf.for %scan3A_57 = %scan3A_6 to %scan3A_8 step %scan3A_9  : i32 {
      %broadcast_in_dim3A_58 = arith.constant 1.000000e+00 : f32
      %broadcast_in_dim3A_59 = vector.broadcast %broadcast_in_dim3A_58 : f32 to vector<16xf32>
      %mul3A_60 = arith.constant 16 : i32
      %mul3A_61 = arith.muli %scan3A_57, %mul3A_60 : i32
      %swap3A_62 = arith.index_cast %mul3A_61 : i32 to index
      %swap3A_63 = tpu.vector_load %arg6[%swap3A_62] {strides = array<i32>} : memref<512xf32, #tpu.memory_space<vmem>>, vector<16xf32>,
      tpu.vector_store %arg6[%swap3A_62], %broadcast_in_dim3A_59 {strides = array<i32>} : memref<512xf32, #tpu.memory_space<vmem>>, vector<16xf32>,
      %scan3A_64 = arith.constant 1 : i32
      %scan3A_65 = arith.addi %scan3A_57, %scan3A_64 : i32
      %broadcast_in_dim3A_66 = arith.constant 1.000000e+00 : f32
      %broadcast_in_dim3A_67 = vector.broadcast %broadcast_in_dim3A_66 : f32 to vector<16xf32>
      %mul3A_68 = arith.constant 16 : i32
      %mul3A_69 = arith.muli %scan3A_65, %mul3A_68 : i32
      %swap3A_70 = arith.index_cast %mul3A_69 : i32 to index
      %swap3A_71 = tpu.vector_load %arg6[%swap3A_70] {strides = array<i32>} : memref<512xf32, #tpu.memory_space<vmem>>, vector<16xf32>,
      tpu.vector_store %arg6[%swap3A_70], %broadcast_in_dim3A_67 {strides = array<i32>} : memref<512xf32, #tpu.memory_space<vmem>>, vector<16xf32>,
      %scan3A_72 = arith.constant 2 : i32
      %scan3A_73 = arith.addi %scan3A_57, %scan3A_72 : i32
      %broadcast_in_dim3A_74 = arith.constant 1.000000e+00 : f32
      %broadcast_in_dim3A_75 = vector.broadcast %broadcast_in_dim3A_74 : f32 to vector<16xf32>
      %mul3A_76 = arith.constant 16 : i32
      %mul3A_77 = arith.muli %scan3A_73, %mul3A_76 : i32
      %swap3A_78 = arith.index_cast %mul3A_77 : i32 to index
      %swap3A_79 = tpu.vector_load %arg6[%swap3A_78] {strides = array<i32>} : memref<512xf32, #tpu.memory_space<vmem>>, vector<16xf32>,
      tpu.vector_store %arg6[%swap3A_78], %broadcast_in_dim3A_75 {strides = array<i32>} : memref<512xf32, #tpu.memory_space<vmem>>, vector<16xf32>,
      %scan3A_80 = arith.constant 3 : i32
      %scan3A_81 = arith.addi %scan3A_57, %scan3A_80 : i32
      %broadcast_in_dim3A_82 = arith.constant 1.000000e+00 : f32
      %broadcast_in_dim3A_83 = vector.broadcast %broadcast_in_dim3A_82 : f32 to vector<16xf32>
      %mul3A_84 = arith.constant 16 : i32
      %mul3A_85 = arith.muli %scan3A_81, %mul3A_84 : i32
      %swap3A_86 = arith.index_cast %mul3A_85 : i32 to index
      %swap3A_87 = tpu.vector_load %arg6[%swap3A_86] {strides = array<i32>} : memref<512xf32, #tpu.memory_space<vmem>>, vector<16xf32>,
      tpu.vector_store %arg6[%swap3A_86], %broadcast_in_dim3A_83 {strides = array<i32>} : memref<512xf32, #tpu.memory_space<vmem>>, vector<16xf32>,
      %scan3A_88 = arith.constant 4 : i32
      %scan3A_89 = arith.addi %scan3A_57, %scan3A_88 : i32
      %broadcast_in_dim3A_90 = arith.constant 1.000000e+00 : f32
      %broadcast_in_dim3A_91 = vector.broadcast %broadcast_in_dim3A_90 : f32 to vector<16xf32>
      %mul3A_92 = arith.constant 16 : i32
      %mul3A_93 = arith.muli %scan3A_89, %mul3A_92 : i32
      %swap3A_94 = arith.index_cast %mul3A_93 : i32 to index
      %swap3A_95 = tpu.vector_load %arg6[%swap3A_94] {strides = array<i32>} : memref<512xf32, #tpu.memory_space<vmem>>, vector<16xf32>,
      tpu.vector_store %arg6[%swap3A_94], %broadcast_in_dim3A_91 {strides = array<i32>} : memref<512xf32, #tpu.memory_space<vmem>>, vector<16xf32>,
      %scan3A_96 = arith.constant 5 : i32
      %scan3A_97 = arith.addi %scan3A_57, %scan3A_96 : i32
      %broadcast_in_dim3A_98 = arith.constant 1.000000e+00 : f32
      %broadcast_in_dim3A_99 = vector.broadcast %broadcast_in_dim3A_98 : f32 to vector<16xf32>
      %mul3A_100 = arith.constant 16 : i32
      %mul3A_101 = arith.muli %scan3A_97, %mul3A_100 : i32
      %swap3A_102 = arith.index_cast %mul3A_101 : i32 to index
      %swap3A_103 = tpu.vector_load %arg6[%swap3A_102] {strides = array<i32>} : memref<512xf32, #tpu.memory_space<vmem>>, vector<16xf32>,
      tpu.vector_store %arg6[%swap3A_102], %broadcast_in_dim3A_99 {strides = array<i32>} : memref<512xf32, #tpu.memory_space<vmem>>, vector<16xf32>,
      %scan3A_104 = arith.constant 6 : i32
      %scan3A_105 = arith.addi %scan3A_57, %scan3A_104 : i32
      %broadcast_in_dim3A_106 = arith.constant 1.000000e+00 : f32
      %broadcast_in_dim3A_107 = vector.broadcast %broadcast_in_dim3A_106 : f32 to vector<16xf32>
      %mul3A_108 = arith.constant 16 : i32
      %mul3A_109 = arith.muli %scan3A_105, %mul3A_108 : i32
      %swap3A_110 = arith.index_cast %mul3A_109 : i32 to index
      %swap3A_111 = tpu.vector_load %arg6[%swap3A_110] {strides = array<i32>} : memref<512xf32, #tpu.memory_space<vmem>>, vector<16xf32>,
      tpu.vector_store %arg6[%swap3A_110], %broadcast_in_dim3A_107 {strides = array<i32>} : memref<512xf32, #tpu.memory_space<vmem>>, vector<16xf32>,
      %scan3A_112 = arith.constant 7 : i32
      %scan3A_113 = arith.addi %scan3A_57, %scan3A_112 : i32
      %broadcast_in_dim3A_114 = arith.constant 1.000000e+00 : f32
      %broadcast_in_dim3A_115 = vector.broadcast %broadcast_in_dim3A_114 : f32 to vector<16xf32>
      %mul3A_116 = arith.constant 16 : i32
      %mul3A_117 = arith.muli %scan3A_113, %mul3A_116 : i32
      %swap3A_118 = arith.index_cast %mul3A_117 : i32 to index
      %swap3A_119 = tpu.vector_load %arg6[%swap3A_118] {strides = array<i32>} : memref<512xf32, #tpu.memory_space<vmem>>, vector<16xf32>,
      tpu.vector_store %arg6[%swap3A_118], %broadcast_in_dim3A_115 {strides = array<i32>} : memref<512xf32, #tpu.memory_space<vmem>>, vector<16xf32>,
    }
    %scan3A_10 = arith.constant 32 : i32
    %scan3A_11 = arith.constant 0 : i32
    %scan3A_12 = arith.constant 0 : i32
    %scan3A_13 = arith.constant 1024 : i32
    %scan3A_14 = arith.addi %scan3A_12, %scan3A_13 : i32
    %scan3A_15 = arith.constant 8 : i32
    scf.for %scan3A_57 = %scan3A_12 to %scan3A_14 step %scan3A_15  : i32 {
      %mul3A_58 = arith.constant 16 : i32
      %mul3A_59 = arith.muli %scan3A_57, %mul3A_58 : i32
      %swap3A_60 = arith.index_cast %mul3A_59 : i32 to index
      %swap3A_61 = tpu.vector_load %arg5[%swap3A_60] {strides = array<i32>} : memref<16384xf32, #tpu.memory_space<vmem>>, vector<16xf32>,
      tpu.vector_store %arg5[%swap3A_60], %broadcast_in_dim3A_1 {strides = array<i32>} : memref<16384xf32, #tpu.memory_space<vmem>>, vector<16xf32>,
      %scan3A_62 = arith.constant 1 : i32
      %scan3A_63 = arith.addi %scan3A_57, %scan3A_62 : i32
      %mul3A_64 = arith.constant 16 : i32
      %mul3A_65 = arith.muli %scan3A_63, %mul3A_64 : i32
      %swap3A_66 = arith.index_cast %mul3A_65 : i32 to index
      %swap3A_67 = tpu.vector_load %arg5[%swap3A_66] {strides = array<i32>} : memref<16384xf32, #tpu.memory_space<vmem>>, vector<16xf32>,
      tpu.vector_store %arg5[%swap3A_66], %broadcast_in_dim3A_1 {strides = array<i32>} : memref<16384xf32, #tpu.memory_space<vmem>>, vector<16xf32>,
      %scan3A_68 = arith.constant 2 : i32
      %scan3A_69 = arith.addi %scan3A_57, %scan3A_68 : i32
      %mul3A_70 = arith.constant 16 : i32
      %mul3A_71 = arith.muli %scan3A_69, %mul3A_70 : i32
      %swap3A_72 = arith.index_cast %mul3A_71 : i32 to index
      %swap3A_73 = tpu.vector_load %arg5[%swap3A_72] {strides = array<i32>} : memref<16384xf32, #tpu.memory_space<vmem>>, vector<16xf32>,
      tpu.vector_store %arg5[%swap3A_72], %broadcast_in_dim3A_1 {strides = array<i32>} : memref<16384xf32, #tpu.memory_space<vmem>>, vector<16xf32>,
      %scan3A_74 = arith.constant 3 : i32
      %scan3A_75 = arith.addi %scan3A_57, %scan3A_74 : i32
      %mul3A_76 = arith.constant 16 : i32
      %mul3A_77 = arith.muli %scan3A_75, %mul3A_76 : i32
      %swap3A_78 = arith.index_cast %mul3A_77 : i32 to index
      %swap3A_79 = tpu.vector_load %arg5[%swap3A_78] {strides = array<i32>} : memref<16384xf32, #tpu.memory_space<vmem>>, vector<16xf32>,
      tpu.vector_store %arg5[%swap3A_78], %broadcast_in_dim3A_1 {strides = array<i32>} : memref<16384xf32, #tpu.memory_space<vmem>>, vector<16xf32>,
      %scan3A_80 = arith.constant 4 : i32
      %scan3A_81 = arith.addi %scan3A_57, %scan3A_80 : i32
      %mul3A_82 = arith.constant 16 : i32
      %mul3A_83 = arith.muli %scan3A_81, %mul3A_82 : i32
      %swap3A_84 = arith.index_cast %mul3A_83 : i32 to index
      %swap3A_85 = tpu.vector_load %arg5[%swap3A_84] {strides = array<i32>} : memref<16384xf32, #tpu.memory_space<vmem>>, vector<16xf32>,
      tpu.vector_store %arg5[%swap3A_84], %broadcast_in_dim3A_1 {strides = array<i32>} : memref<16384xf32, #tpu.memory_space<vmem>>, vector<16xf32>,
      %scan3A_86 = arith.constant 5 : i32
      %scan3A_87 = arith.addi %scan3A_57, %scan3A_86 : i32
      %mul3A_88 = arith.constant 16 : i32
      %mul3A_89 = arith.muli %scan3A_87, %mul3A_88 : i32
      %swap3A_90 = arith.index_cast %mul3A_89 : i32 to index
      %swap3A_91 = tpu.vector_load %arg5[%swap3A_90] {strides = array<i32>} : memref<16384xf32, #tpu.memory_space<vmem>>, vector<16xf32>,
      tpu.vector_store %arg5[%swap3A_90], %broadcast_in_dim3A_1 {strides = array<i32>} : memref<16384xf32, #tpu.memory_space<vmem>>, vector<16xf32>,
      %scan3A_92 = arith.constant 6 : i32
      %scan3A_93 = arith.addi %scan3A_57, %scan3A_92 : i32
      %mul3A_94 = arith.constant 16 : i32
      %mul3A_95 = arith.muli %scan3A_93, %mul3A_94 : i32
      %swap3A_96 = arith.index_cast %mul3A_95 : i32 to index
      %swap3A_97 = tpu.vector_load %arg5[%swap3A_96] {strides = array<i32>} : memref<16384xf32, #tpu.memory_space<vmem>>, vector<16xf32>,
      tpu.vector_store %arg5[%swap3A_96], %broadcast_in_dim3A_1 {strides = array<i32>} : memref<16384xf32, #tpu.memory_space<vmem>>, vector<16xf32>,
      %scan3A_98 = arith.constant 7 : i32
      %scan3A_99 = arith.addi %scan3A_57, %scan3A_98 : i32
      %mul3A_100 = arith.constant 16 : i32
      %mul3A_101 = arith.muli %scan3A_99, %mul3A_100 : i32
      %swap3A_102 = arith.index_cast %mul3A_101 : i32 to index
      %swap3A_103 = tpu.vector_load %arg5[%swap3A_102] {strides = array<i32>} : memref<16384xf32, #tpu.memory_space<vmem>>, vector<16xf32>,
      tpu.vector_store %arg5[%swap3A_102], %broadcast_in_dim3A_1 {strides = array<i32>} : memref<16384xf32, #tpu.memory_space<vmem>>, vector<16xf32>,
    }
    %scan3A_16 = arith.constant 1024 : i32
    %broadcast_in_dim3A_17 = arith.constant -1 : i32
    %broadcast_in_dim3A_18 = vector.broadcast %broadcast_in_dim3A_17 : i32 to vector<16xi32>
    %swap3A = arith.constant 0 : index
    %swap3A_19 = tpu.vector_load %arg11[%swap3A] {strides = array<i32>} : memref<32xi32, #tpu.memory_space<vmem>>, vector<16xi32>,
    tpu.vector_store %arg11[%swap3A], %broadcast_in_dim3A_18 {strides = array<i32>} : memref<32xi32, #tpu.memory_space<vmem>>, vector<16xi32>,
    %swap3A_20 = arith.constant 16 : index
    %swap3A_21 = tpu.vector_load %arg11[%swap3A_20] {strides = array<i32>} : memref<32xi32, #tpu.memory_space<vmem>>, vector<16xi32>,
    tpu.vector_store %arg11[%swap3A_20], %broadcast_in_dim3A_18 {strides = array<i32>} : memref<32xi32, #tpu.memory_space<vmem>>, vector<16xi32>,
    %scan3A_22 = arith.constant true
    %scan3A_23 = arith.constant 0 : i32
    %scan3A_24 = arith.constant 256 : i32
    %scan3A_25 = arith.addi %scan3A_23, %scan3A_24 : i32
    %scan3A_26 = arith.constant 1 : i32
    %scan3A_27 = scf.for %scan3A_57 = %scan3A_23 to %scan3A_25 step %scan3A_26 iter_args(%scan3A_58 = %scan3A_22) -> (i1)  : i32 {
      %convert_element_type3A_59 = arith.extui %scan3A_58 : i1 to i32
      %cond3A_60 = arith.constant 0 : i32
      %cond3A_61 = arith.cmpi ne, %convert_element_type3A_59, %cond3A_60 : i32
      %cond3A_62 = scf.if %cond3A_61 -> (i1) {
        %add3A_63 = arith.constant 0 : i32
        %add3A_64 = arith.addi %mul3A_0, %add3A_63 : i32
        %get3A_65 = arith.index_cast %add3A_64 : i32 to index
        %get3A_66 = tpu.vector_load %arg6[%get3A_65] {strides = array<i32>} : memref<512xf32, #tpu.memory_space<vmem>>, vector<16xf32>,
        %gt3A = arith.constant 0.000000e+00 : f32
        %gt3A_67 = vector.broadcast %gt3A : f32 to vector<16xf32>
        %gt3A_68 = arith.cmpf ogt, %get3A_66, %gt3A_67 : vector<16xf32>
        %reduce_or3A = arith.constant 1.000000e+00 : f32
        %reduce_or3A_69 = arith.constant 0.000000e+00 : f32
        %reduce_or3A_70 = vector.broadcast %reduce_or3A : f32 to vector<16xf32>
        %reduce_or3A_71 = vector.broadcast %reduce_or3A_69 : f32 to vector<16xf32>
        %reduce_or3A_72 = arith.select %gt3A_68, %reduce_or3A_70, %reduce_or3A_71 : vector<16xi1>, vector<16xf32>
        %reduce_or3A_73 = arith.constant true
        %reduce_or3A_74 = vector.broadcast %reduce_or3A_73 : i1 to vector<16xi1>
        %reduce_or3A_75 = tpu.scan <max>, %reduce_or3A_72 masked %reduce_or3A_74 : vector<16xf32>, vector<16xi1> -> vector<16xf32>
        %reduce_or3A_76 = vector.extract %reduce_or3A_75[15] : f32 from vector<16xf32>
        %reduce_or3A_77 = arith.constant 0.000000e+00 : f32
        %reduce_or3A_78 = arith.cmpf ogt, %reduce_or3A_76, %reduce_or3A_77 : f32
        %convert_element_type3A_79 = arith.extui %reduce_or3A_78 : i1 to i32
        %cond3A_80 = arith.constant 0 : i32
        %cond3A_81 = arith.constant 0 : i32
        %cond3A_82 = arith.cmpi ne, %convert_element_type3A_79, %cond3A_81 : i32
        %cond3A_83:2 = scf.if %cond3A_82 -> (vector<16xf32>, vector<16xi32>) {
          %scan3A_226 = arith.constant 0 : i32
          %scan3A_227 = arith.constant 16 : i32
          %scan3A_228 = arith.addi %scan3A_226, %scan3A_227 : i32
          %scan3A_229 = arith.constant 1 : i32
          %scan3A_230:2 = scf.for %scan3A_232 = %scan3A_226 to %scan3A_228 step %scan3A_229 iter_args(%scan3A_233 = %broadcast_in_dim3A_1, %scan3A_234 = %broadcast_in_dim3A_3) -> (vector<16xf32>, vector<16xi32>)  : i32 {
            %eq3A_235 = vector.broadcast %scan3A_232 : i32 to vector<16xi32>
            %eq3A_236 = arith.cmpi eq, %iota3A, %eq3A_235 : vector<16xi32>
            %gt3A_237 = arith.constant 0.000000e+00 : f32
            %gt3A_238 = vector.broadcast %gt3A_237 : f32 to vector<16xf32>
            %gt3A_239 = arith.cmpf ogt, %get3A_66, %gt3A_238 : vector<16xf32>
            %and3A_240 = arith.andi %eq3A_236, %gt3A_239 : vector<16xi1>
            %reduce_or3A_241 = arith.constant 1.000000e+00 : f32
            %reduce_or3A_242 = arith.constant 0.000000e+00 : f32
            %reduce_or3A_243 = vector.broadcast %reduce_or3A_241 : f32 to vector<16xf32>
            %reduce_or3A_244 = vector.broadcast %reduce_or3A_242 : f32 to vector<16xf32>
            %reduce_or3A_245 = arith.select %and3A_240, %reduce_or3A_243, %reduce_or3A_244 : vector<16xi1>, vector<16xf32>
            %reduce_or3A_246 = arith.constant true
            %reduce_or3A_247 = vector.broadcast %reduce_or3A_246 : i1 to vector<16xi1>
            %reduce_or3A_248 = tpu.scan <max>, %reduce_or3A_245 masked %reduce_or3A_247 : vector<16xf32>, vector<16xi1> -> vector<16xf32>
            %reduce_or3A_249 = vector.extract %reduce_or3A_248[15] : f32 from vector<16xf32>
            %reduce_or3A_250 = arith.constant 0.000000e+00 : f32
            %reduce_or3A_251 = arith.cmpf ogt, %reduce_or3A_249, %reduce_or3A_250 : f32
            %convert_element_type3A_252 = arith.extui %reduce_or3A_251 : i1 to i32
            %cond3A_253 = arith.constant 0 : i32
            %cond3A_254 = arith.cmpi ne, %convert_element_type3A_252, %cond3A_253 : i32
            %cond3A_255:2 = scf.if %cond3A_254 -> (vector<16xf32>, vector<16xi32>) {
              %add3A_256 = arith.constant 0 : i32
              %add3A_257 = arith.addi %add3A_256, %scan3A_232 : i32
              %mul3A_258 = arith.constant 512 : i32
              %mul3A_259 = arith.muli %add3A_257, %mul3A_258 : i32
              %scan3A_260 = arith.constant 0 : i32
              %scan3A_261 = arith.constant 32 : i32
              %scan3A_262 = arith.addi %scan3A_260, %scan3A_261 : i32
              %scan3A_263 = arith.constant 4 : i32
              %scan3A_264:2 = scf.for %scan3A_332 = %scan3A_260 to %scan3A_262 step %scan3A_263 iter_args(%scan3A_333 = %broadcast_in_dim3A_1, %scan3A_334 = %broadcast_in_dim3A_3) -> (vector<16xf32>, vector<16xi32>)  : i32 {
                %mul3A_335 = arith.constant 16 : i32
                %mul3A_336 = arith.muli %scan3A_332, %mul3A_335 : i32
                %add3A_337 = arith.addi %mul3A_259, %mul3A_336 : i32
                %get3A_338 = arith.index_cast %add3A_337 : i32 to index
                %get3A_339 = tpu.vector_load %arg4[%get3A_338] {strides = array<i32>} : memref<16384xf32, #tpu.memory_space<vmem>>, vector<16xf32>,
                %mul3A_340 = arith.constant 16 : i32
                %mul3A_341 = arith.muli %scan3A_332, %mul3A_340 : i32
                %get3A_342 = arith.index_cast %mul3A_341 : i32 to index
                %get3A_343 = tpu.vector_load %arg6[%get3A_342] {strides = array<i32>} : memref<512xf32, #tpu.memory_space<vmem>>, vector<16xf32>,
                %mul3A_344 = arith.mulf %get3A_339, %get3A_343 : vector<16xf32>
                %mul3A_345 = arith.constant 16 : i32
                %mul3A_346 = arith.muli %scan3A_332, %mul3A_345 : i32
                %add3A_347 = vector.broadcast %mul3A_346 : i32 to vector<16xi32>
                %add3A_348 = arith.addi %add3A_347, %iota3A : vector<16xi32>
                %gt3A_349 = arith.cmpf ogt, %mul3A_344, %scan3A_333 : vector<16xf32>
                %select_n3A_350 = arith.select %gt3A_349, %mul3A_344, %scan3A_333 : vector<16xi1>, vector<16xf32>
                %select_n3A_351 = arith.select %gt3A_349, %add3A_348, %scan3A_334 : vector<16xi1>, vector<16xi32>
                %scan3A_352 = arith.constant 1 : i32
                %scan3A_353 = arith.addi %scan3A_332, %scan3A_352 : i32
                %mul3A_354 = arith.constant 16 : i32
                %mul3A_355 = arith.muli %scan3A_353, %mul3A_354 : i32
                %add3A_356 = arith.addi %mul3A_259, %mul3A_355 : i32
                %get3A_357 = arith.index_cast %add3A_356 : i32 to index
                %get3A_358 = tpu.vector_load %arg4[%get3A_357] {strides = array<i32>} : memref<16384xf32, #tpu.memory_space<vmem>>, vector<16xf32>,
                %mul3A_359 = arith.constant 16 : i32
                %mul3A_360 = arith.muli %scan3A_353, %mul3A_359 : i32
                %get3A_361 = arith.index_cast %mul3A_360 : i32 to index
                %get3A_362 = tpu.vector_load %arg6[%get3A_361] {strides = array<i32>} : memref<512xf32, #tpu.memory_space<vmem>>, vector<16xf32>,
                %mul3A_363 = arith.mulf %get3A_358, %get3A_362 : vector<16xf32>
                %mul3A_364 = arith.constant 16 : i32
                %mul3A_365 = arith.muli %scan3A_353, %mul3A_364 : i32
                %add3A_366 = vector.broadcast %mul3A_365 : i32 to vector<16xi32>
                %add3A_367 = arith.addi %add3A_366, %iota3A : vector<16xi32>
                %gt3A_368 = arith.cmpf ogt, %mul3A_363, %select_n3A_350 : vector<16xf32>
                %select_n3A_369 = arith.select %gt3A_368, %mul3A_363, %select_n3A_350 : vector<16xi1>, vector<16xf32>
                %select_n3A_370 = arith.select %gt3A_368, %add3A_367, %select_n3A_351 : vector<16xi1>, vector<16xi32>
                %scan3A_371 = arith.constant 2 : i32
                %scan3A_372 = arith.addi %scan3A_332, %scan3A_371 : i32
                %mul3A_373 = arith.constant 16 : i32
                %mul3A_374 = arith.muli %scan3A_372, %mul3A_373 : i32
                %add3A_375 = arith.addi %mul3A_259, %mul3A_374 : i32
                %get3A_376 = arith.index_cast %add3A_375 : i32 to index
                %get3A_377 = tpu.vector_load %arg4[%get3A_376] {strides = array<i32>} : memref<16384xf32, #tpu.memory_space<vmem>>, vector<16xf32>,
                %mul3A_378 = arith.constant 16 : i32
                %mul3A_379 = arith.muli %scan3A_372, %mul3A_378 : i32
                %get3A_380 = arith.index_cast %mul3A_379 : i32 to index
                %get3A_381 = tpu.vector_load %arg6[%get3A_380] {strides = array<i32>} : memref<512xf32, #tpu.memory_space<vmem>>, vector<16xf32>,
                %mul3A_382 = arith.mulf %get3A_377, %get3A_381 : vector<16xf32>
                %mul3A_383 = arith.constant 16 : i32
                %mul3A_384 = arith.muli %scan3A_372, %mul3A_383 : i32
                %add3A_385 = vector.broadcast %mul3A_384 : i32 to vector<16xi32>
                %add3A_386 = arith.addi %add3A_385, %iota3A : vector<16xi32>
                %gt3A_387 = arith.cmpf ogt, %mul3A_382, %select_n3A_369 : vector<16xf32>
                %select_n3A_388 = arith.select %gt3A_387, %mul3A_382, %select_n3A_369 : vector<16xi1>, vector<16xf32>
                %select_n3A_389 = arith.select %gt3A_387, %add3A_386, %select_n3A_370 : vector<16xi1>, vector<16xi32>
                %scan3A_390 = arith.constant 3 : i32
                %scan3A_391 = arith.addi %scan3A_332, %scan3A_390 : i32
                %mul3A_392 = arith.constant 16 : i32
                %mul3A_393 = arith.muli %scan3A_391, %mul3A_392 : i32
                %add3A_394 = arith.addi %mul3A_259, %mul3A_393 : i32
                %get3A_395 = arith.index_cast %add3A_394 : i32 to index
                %get3A_396 = tpu.vector_load %arg4[%get3A_395] {strides = array<i32>} : memref<16384xf32, #tpu.memory_space<vmem>>, vector<16xf32>,
                %mul3A_397 = arith.constant 16 : i32
                %mul3A_398 = arith.muli %scan3A_391, %mul3A_397 : i32
                %get3A_399 = arith.index_cast %mul3A_398 : i32 to index
                %get3A_400 = tpu.vector_load %arg6[%get3A_399] {strides = array<i32>} : memref<512xf32, #tpu.memory_space<vmem>>, vector<16xf32>,
                %mul3A_401 = arith.mulf %get3A_396, %get3A_400 : vector<16xf32>
                %mul3A_402 = arith.constant 16 : i32
                %mul3A_403 = arith.muli %scan3A_391, %mul3A_402 : i32
                %add3A_404 = vector.broadcast %mul3A_403 : i32 to vector<16xi32>
                %add3A_405 = arith.addi %add3A_404, %iota3A : vector<16xi32>
                %gt3A_406 = arith.cmpf ogt, %mul3A_401, %select_n3A_388 : vector<16xf32>
                %select_n3A_407 = arith.select %gt3A_406, %mul3A_401, %select_n3A_388 : vector<16xi1>, vector<16xf32>
                %select_n3A_408 = arith.select %gt3A_406, %add3A_405, %select_n3A_389 : vector<16xi1>, vector<16xi32>
                scf.yield %select_n3A_407, %select_n3A_408 : vector<16xf32>, vector<16xi32>
              }
              %scan3A_265 = arith.constant 32 : i32
              %xor3A = arith.constant 8 : i32
              %xor3A_266 = vector.broadcast %xor3A : i32 to vector<16xi32>
              %xor3A_267 = arith.xori %iota3A, %xor3A_266 : vector<16xi32>
              %reshape3A = vector.shape_cast %xor3A_267 : vector<16xi32> to vector<16x1xi32>
              %gather3A_268 = vector.shape_cast %reshape3A : vector<16x1xi32> to vector<16xi32>
              %gather3A_269 = tpu.dynamic_gather %scan3A_264#0[%gather3A_268] in [0] : vector<16xf32>, vector<16xi32> -> vector<16xf32>
              %reshape3A_270 = vector.shape_cast %xor3A_267 : vector<16xi32> to vector<16x1xi32>
              %gather3A_271 = vector.shape_cast %reshape3A_270 : vector<16x1xi32> to vector<16xi32>
              %gather3A_272 = tpu.dynamic_gather %scan3A_264#1[%gather3A_271] in [0] : vector<16xi32>, vector<16xi32> -> vector<16xi32>
              %gt3A_273 = arith.cmpf ogt, %gather3A_269, %scan3A_264#0 : vector<16xf32>
              %eq3A_274 = arith.cmpf oeq, %gather3A_269, %scan3A_264#0 : vector<16xf32>
              %lt3A = arith.cmpi slt, %gather3A_272, %scan3A_264#1 : vector<16xi32>
              %and3A_275 = arith.andi %eq3A_274, %lt3A : vector<16xi1>
              %or3A = arith.ori %gt3A_273, %and3A_275 : vector<16xi1>
              %select_n3A_276 = arith.select %or3A, %gather3A_269, %scan3A_264#0 : vector<16xi1>, vector<16xf32>
              %select_n3A_277 = arith.select %or3A, %gather3A_272, %scan3A_264#1 : vector<16xi1>, vector<16xi32>
              %xor3A_278 = arith.constant 4 : i32
              %xor3A_279 = vector.broadcast %xor3A_278 : i32 to vector<16xi32>
              %xor3A_280 = arith.xori %iota3A, %xor3A_279 : vector<16xi32>
              %reshape3A_281 = vector.shape_cast %xor3A_280 : vector<16xi32> to vector<16x1xi32>
              %gather3A_282 = vector.shape_cast %reshape3A_281 : vector<16x1xi32> to vector<16xi32>
              %gather3A_283 = tpu.dynamic_gather %select_n3A_276[%gather3A_282] in [0] : vector<16xf32>, vector<16xi32> -> vector<16xf32>
              %reshape3A_284 = vector.shape_cast %xor3A_280 : vector<16xi32> to vector<16x1xi32>
              %gather3A_285 = vector.shape_cast %reshape3A_284 : vector<16x1xi32> to vector<16xi32>
              %gather3A_286 = tpu.dynamic_gather %select_n3A_277[%gather3A_285] in [0] : vector<16xi32>, vector<16xi32> -> vector<16xi32>
              %gt3A_287 = arith.cmpf ogt, %gather3A_283, %select_n3A_276 : vector<16xf32>
              %eq3A_288 = arith.cmpf oeq, %gather3A_283, %select_n3A_276 : vector<16xf32>
              %lt3A_289 = arith.cmpi slt, %gather3A_286, %select_n3A_277 : vector<16xi32>
              %and3A_290 = arith.andi %eq3A_288, %lt3A_289 : vector<16xi1>
              %or3A_291 = arith.ori %gt3A_287, %and3A_290 : vector<16xi1>
              %select_n3A_292 = arith.select %or3A_291, %gather3A_283, %select_n3A_276 : vector<16xi1>, vector<16xf32>
              %select_n3A_293 = arith.select %or3A_291, %gather3A_286, %select_n3A_277 : vector<16xi1>, vector<16xi32>
              %xor3A_294 = arith.constant 2 : i32
              %xor3A_295 = vector.broadcast %xor3A_294 : i32 to vector<16xi32>
              %xor3A_296 = arith.xori %iota3A, %xor3A_295 : vector<16xi32>
              %reshape3A_297 = vector.shape_cast %xor3A_296 : vector<16xi32> to vector<16x1xi32>
              %gather3A_298 = vector.shape_cast %reshape3A_297 : vector<16x1xi32> to vector<16xi32>
              %gather3A_299 = tpu.dynamic_gather %select_n3A_292[%gather3A_298] in [0] : vector<16xf32>, vector<16xi32> -> vector<16xf32>
              %reshape3A_300 = vector.shape_cast %xor3A_296 : vector<16xi32> to vector<16x1xi32>
              %gather3A_301 = vector.shape_cast %reshape3A_300 : vector<16x1xi32> to vector<16xi32>
              %gather3A_302 = tpu.dynamic_gather %select_n3A_293[%gather3A_301] in [0] : vector<16xi32>, vector<16xi32> -> vector<16xi32>
              %gt3A_303 = arith.cmpf ogt, %gather3A_299, %select_n3A_292 : vector<16xf32>
              %eq3A_304 = arith.cmpf oeq, %gather3A_299, %select_n3A_292 : vector<16xf32>
              %lt3A_305 = arith.cmpi slt, %gather3A_302, %select_n3A_293 : vector<16xi32>
              %and3A_306 = arith.andi %eq3A_304, %lt3A_305 : vector<16xi1>
              %or3A_307 = arith.ori %gt3A_303, %and3A_306 : vector<16xi1>
              %select_n3A_308 = arith.select %or3A_307, %gather3A_299, %select_n3A_292 : vector<16xi1>, vector<16xf32>
              %select_n3A_309 = arith.select %or3A_307, %gather3A_302, %select_n3A_293 : vector<16xi1>, vector<16xi32>
              %xor3A_310 = arith.constant 1 : i32
              %xor3A_311 = vector.broadcast %xor3A_310 : i32 to vector<16xi32>
              %xor3A_312 = arith.xori %iota3A, %xor3A_311 : vector<16xi32>
              %reshape3A_313 = vector.shape_cast %xor3A_312 : vector<16xi32> to vector<16x1xi32>
              %gather3A_314 = vector.shape_cast %reshape3A_313 : vector<16x1xi32> to vector<16xi32>
              %gather3A_315 = tpu.dynamic_gather %select_n3A_308[%gather3A_314] in [0] : vector<16xf32>, vector<16xi32> -> vector<16xf32>
              %reshape3A_316 = vector.shape_cast %xor3A_312 : vector<16xi32> to vector<16x1xi32>
              %gather3A_317 = vector.shape_cast %reshape3A_316 : vector<16x1xi32> to vector<16xi32>
              %gather3A_318 = tpu.dynamic_gather %select_n3A_309[%gather3A_317] in [0] : vector<16xi32>, vector<16xi32> -> vector<16xi32>
              %gt3A_319 = arith.cmpf ogt, %gather3A_315, %select_n3A_308 : vector<16xf32>
              %eq3A_320 = arith.cmpf oeq, %gather3A_315, %select_n3A_308 : vector<16xf32>
              %lt3A_321 = arith.cmpi slt, %gather3A_318, %select_n3A_309 : vector<16xi32>
              %and3A_322 = arith.andi %eq3A_320, %lt3A_321 : vector<16xi1>
              %or3A_323 = arith.ori %gt3A_319, %and3A_322 : vector<16xi1>
              %select_n3A_324 = arith.select %or3A_323, %gather3A_315, %select_n3A_308 : vector<16xi1>, vector<16xf32>
              %select_n3A_325 = arith.select %or3A_323, %gather3A_318, %select_n3A_309 : vector<16xi1>, vector<16xi32>
              %eq3A_326 = vector.broadcast %scan3A_232 : i32 to vector<16xi32>
              %eq3A_327 = arith.cmpi eq, %iota3A, %eq3A_326 : vector<16xi32>
              %select_n3A_328 = arith.select %eq3A_327, %select_n3A_324, %scan3A_233 : vector<16xi1>, vector<16xf32>
              %eq3A_329 = vector.broadcast %scan3A_232 : i32 to vector<16xi32>
              %eq3A_330 = arith.cmpi eq, %iota3A, %eq3A_329 : vector<16xi32>
              %select_n3A_331 = arith.select %eq3A_330, %select_n3A_325, %scan3A_234 : vector<16xi1>, vector<16xi32>
              scf.yield %select_n3A_328, %select_n3A_331 : vector<16xf32>, vector<16xi32>
            } else {
              scf.yield %scan3A_233, %scan3A_234 : vector<16xf32>, vector<16xi32>
            }
            scf.yield %cond3A_255#0, %cond3A_255#1 : vector<16xf32>, vector<16xi32>
          }
          %scan3A_231 = arith.constant 16 : i32
          scf.yield %scan3A_230#0, %scan3A_230#1 : vector<16xf32>, vector<16xi32>
        } else {
          scf.yield %broadcast_in_dim3A_1, %broadcast_in_dim3A_3 : vector<16xf32>, vector<16xi32>
        }
        %swap3A_84 = arith.constant 0 : index
        %swap3A_85 = tpu.vector_load %arg9[%swap3A_84] {strides = array<i32>} : memref<32xf32, #tpu.memory_space<vmem>>, vector<16xf32>,
        tpu.vector_store %arg9[%swap3A_84], %cond3A_83#0 {strides = array<i32>} : memref<32xf32, #tpu.memory_space<vmem>>, vector<16xf32>,
        %swap3A_86 = arith.constant 0 : index
        %swap3A_87 = tpu.vector_load %arg10[%swap3A_86] {strides = array<i32>} : memref<32xi32, #tpu.memory_space<vmem>>, vector<16xi32>,
        tpu.vector_store %arg10[%swap3A_86], %cond3A_83#1 {strides = array<i32>} : memref<32xi32, #tpu.memory_space<vmem>>, vector<16xi32>,
        %add3A_88 = arith.constant 16 : i32
        %add3A_89 = arith.addi %mul3A_0, %add3A_88 : i32
        %get3A_90 = arith.index_cast %add3A_89 : i32 to index
        %get3A_91 = tpu.vector_load %arg6[%get3A_90] {strides = array<i32>} : memref<512xf32, #tpu.memory_space<vmem>>, vector<16xf32>,
        %gt3A_92 = arith.constant 0.000000e+00 : f32
        %gt3A_93 = vector.broadcast %gt3A_92 : f32 to vector<16xf32>
        %gt3A_94 = arith.cmpf ogt, %get3A_91, %gt3A_93 : vector<16xf32>
        %reduce_or3A_95 = arith.constant 1.000000e+00 : f32
        %reduce_or3A_96 = arith.constant 0.000000e+00 : f32
        %reduce_or3A_97 = vector.broadcast %reduce_or3A_95 : f32 to vector<16xf32>
        %reduce_or3A_98 = vector.broadcast %reduce_or3A_96 : f32 to vector<16xf32>
        %reduce_or3A_99 = arith.select %gt3A_94, %reduce_or3A_97, %reduce_or3A_98 : vector<16xi1>, vector<16xf32>
        %reduce_or3A_100 = arith.constant true
        %reduce_or3A_101 = vector.broadcast %reduce_or3A_100 : i1 to vector<16xi1>
        %reduce_or3A_102 = tpu.scan <max>, %reduce_or3A_99 masked %reduce_or3A_101 : vector<16xf32>, vector<16xi1> -> vector<16xf32>
        %reduce_or3A_103 = vector.extract %reduce_or3A_102[15] : f32 from vector<16xf32>
        %reduce_or3A_104 = arith.constant 0.000000e+00 : f32
        %reduce_or3A_105 = arith.cmpf ogt, %reduce_or3A_103, %reduce_or3A_104 : f32
        %convert_element_type3A_106 = arith.extui %reduce_or3A_105 : i1 to i32
        %cond3A_107 = arith.constant 0 : i32
        %cond3A_108 = arith.constant 0 : i32
        %cond3A_109 = arith.cmpi ne, %convert_element_type3A_106, %cond3A_108 : i32
        %cond3A_110:2 = scf.if %cond3A_109 -> (vector<16xf32>, vector<16xi32>) {
          %scan3A_226 = arith.constant 0 : i32
          %scan3A_227 = arith.constant 16 : i32
          %scan3A_228 = arith.addi %scan3A_226, %scan3A_227 : i32
          %scan3A_229 = arith.constant 1 : i32
          %scan3A_230:2 = scf.for %scan3A_232 = %scan3A_226 to %scan3A_228 step %scan3A_229 iter_args(%scan3A_233 = %broadcast_in_dim3A_1, %scan3A_234 = %broadcast_in_dim3A_3) -> (vector<16xf32>, vector<16xi32>)  : i32 {
            %eq3A_235 = vector.broadcast %scan3A_232 : i32 to vector<16xi32>
            %eq3A_236 = arith.cmpi eq, %iota3A, %eq3A_235 : vector<16xi32>
            %gt3A_237 = arith.constant 0.000000e+00 : f32
            %gt3A_238 = vector.broadcast %gt3A_237 : f32 to vector<16xf32>
            %gt3A_239 = arith.cmpf ogt, %get3A_91, %gt3A_238 : vector<16xf32>
            %and3A_240 = arith.andi %eq3A_236, %gt3A_239 : vector<16xi1>
            %reduce_or3A_241 = arith.constant 1.000000e+00 : f32
            %reduce_or3A_242 = arith.constant 0.000000e+00 : f32
            %reduce_or3A_243 = vector.broadcast %reduce_or3A_241 : f32 to vector<16xf32>
            %reduce_or3A_244 = vector.broadcast %reduce_or3A_242 : f32 to vector<16xf32>
            %reduce_or3A_245 = arith.select %and3A_240, %reduce_or3A_243, %reduce_or3A_244 : vector<16xi1>, vector<16xf32>
            %reduce_or3A_246 = arith.constant true
            %reduce_or3A_247 = vector.broadcast %reduce_or3A_246 : i1 to vector<16xi1>
            %reduce_or3A_248 = tpu.scan <max>, %reduce_or3A_245 masked %reduce_or3A_247 : vector<16xf32>, vector<16xi1> -> vector<16xf32>
            %reduce_or3A_249 = vector.extract %reduce_or3A_248[15] : f32 from vector<16xf32>
            %reduce_or3A_250 = arith.constant 0.000000e+00 : f32
            %reduce_or3A_251 = arith.cmpf ogt, %reduce_or3A_249, %reduce_or3A_250 : f32
            %convert_element_type3A_252 = arith.extui %reduce_or3A_251 : i1 to i32
            %cond3A_253 = arith.constant 0 : i32
            %cond3A_254 = arith.cmpi ne, %convert_element_type3A_252, %cond3A_253 : i32
            %cond3A_255:2 = scf.if %cond3A_254 -> (vector<16xf32>, vector<16xi32>) {
              %add3A_256 = arith.constant 16 : i32
              %add3A_257 = arith.addi %add3A_256, %scan3A_232 : i32
              %mul3A_258 = arith.constant 512 : i32
              %mul3A_259 = arith.muli %add3A_257, %mul3A_258 : i32
              %scan3A_260 = arith.constant 0 : i32
              %scan3A_261 = arith.constant 32 : i32
              %scan3A_262 = arith.addi %scan3A_260, %scan3A_261 : i32
              %scan3A_263 = arith.constant 4 : i32
              %scan3A_264:2 = scf.for %scan3A_332 = %scan3A_260 to %scan3A_262 step %scan3A_263 iter_args(%scan3A_333 = %broadcast_in_dim3A_1, %scan3A_334 = %broadcast_in_dim3A_3) -> (vector<16xf32>, vector<16xi32>)  : i32 {
                %mul3A_335 = arith.constant 16 : i32
                %mul3A_336 = arith.muli %scan3A_332, %mul3A_335 : i32
                %add3A_337 = arith.addi %mul3A_259, %mul3A_336 : i32
                %get3A_338 = arith.index_cast %add3A_337 : i32 to index
                %get3A_339 = tpu.vector_load %arg4[%get3A_338] {strides = array<i32>} : memref<16384xf32, #tpu.memory_space<vmem>>, vector<16xf32>,
                %mul3A_340 = arith.constant 16 : i32
                %mul3A_341 = arith.muli %scan3A_332, %mul3A_340 : i32
                %get3A_342 = arith.index_cast %mul3A_341 : i32 to index
                %get3A_343 = tpu.vector_load %arg6[%get3A_342] {strides = array<i32>} : memref<512xf32, #tpu.memory_space<vmem>>, vector<16xf32>,
                %mul3A_344 = arith.mulf %get3A_339, %get3A_343 : vector<16xf32>
                %mul3A_345 = arith.constant 16 : i32
                %mul3A_346 = arith.muli %scan3A_332, %mul3A_345 : i32
                %add3A_347 = vector.broadcast %mul3A_346 : i32 to vector<16xi32>
                %add3A_348 = arith.addi %add3A_347, %iota3A : vector<16xi32>
                %gt3A_349 = arith.cmpf ogt, %mul3A_344, %scan3A_333 : vector<16xf32>
                %select_n3A_350 = arith.select %gt3A_349, %mul3A_344, %scan3A_333 : vector<16xi1>, vector<16xf32>
                %select_n3A_351 = arith.select %gt3A_349, %add3A_348, %scan3A_334 : vector<16xi1>, vector<16xi32>
                %scan3A_352 = arith.constant 1 : i32
                %scan3A_353 = arith.addi %scan3A_332, %scan3A_352 : i32
                %mul3A_354 = arith.constant 16 : i32
                %mul3A_355 = arith.muli %scan3A_353, %mul3A_354 : i32
                %add3A_356 = arith.addi %mul3A_259, %mul3A_355 : i32
                %get3A_357 = arith.index_cast %add3A_356 : i32 to index
                %get3A_358 = tpu.vector_load %arg4[%get3A_357] {strides = array<i32>} : memref<16384xf32, #tpu.memory_space<vmem>>, vector<16xf32>,
                %mul3A_359 = arith.constant 16 : i32
                %mul3A_360 = arith.muli %scan3A_353, %mul3A_359 : i32
                %get3A_361 = arith.index_cast %mul3A_360 : i32 to index
                %get3A_362 = tpu.vector_load %arg6[%get3A_361] {strides = array<i32>} : memref<512xf32, #tpu.memory_space<vmem>>, vector<16xf32>,
                %mul3A_363 = arith.mulf %get3A_358, %get3A_362 : vector<16xf32>
                %mul3A_364 = arith.constant 16 : i32
                %mul3A_365 = arith.muli %scan3A_353, %mul3A_364 : i32
                %add3A_366 = vector.broadcast %mul3A_365 : i32 to vector<16xi32>
                %add3A_367 = arith.addi %add3A_366, %iota3A : vector<16xi32>
                %gt3A_368 = arith.cmpf ogt, %mul3A_363, %select_n3A_350 : vector<16xf32>
                %select_n3A_369 = arith.select %gt3A_368, %mul3A_363, %select_n3A_350 : vector<16xi1>, vector<16xf32>
                %select_n3A_370 = arith.select %gt3A_368, %add3A_367, %select_n3A_351 : vector<16xi1>, vector<16xi32>
                %scan3A_371 = arith.constant 2 : i32
                %scan3A_372 = arith.addi %scan3A_332, %scan3A_371 : i32
                %mul3A_373 = arith.constant 16 : i32
                %mul3A_374 = arith.muli %scan3A_372, %mul3A_373 : i32
                %add3A_375 = arith.addi %mul3A_259, %mul3A_374 : i32
                %get3A_376 = arith.index_cast %add3A_375 : i32 to index
                %get3A_377 = tpu.vector_load %arg4[%get3A_376] {strides = array<i32>} : memref<16384xf32, #tpu.memory_space<vmem>>, vector<16xf32>,
                %mul3A_378 = arith.constant 16 : i32
                %mul3A_379 = arith.muli %scan3A_372, %mul3A_378 : i32
                %get3A_380 = arith.index_cast %mul3A_379 : i32 to index
                %get3A_381 = tpu.vector_load %arg6[%get3A_380] {strides = array<i32>} : memref<512xf32, #tpu.memory_space<vmem>>, vector<16xf32>,
                %mul3A_382 = arith.mulf %get3A_377, %get3A_381 : vector<16xf32>
                %mul3A_383 = arith.constant 16 : i32
                %mul3A_384 = arith.muli %scan3A_372, %mul3A_383 : i32
                %add3A_385 = vector.broadcast %mul3A_384 : i32 to vector<16xi32>
                %add3A_386 = arith.addi %add3A_385, %iota3A : vector<16xi32>
                %gt3A_387 = arith.cmpf ogt, %mul3A_382, %select_n3A_369 : vector<16xf32>
                %select_n3A_388 = arith.select %gt3A_387, %mul3A_382, %select_n3A_369 : vector<16xi1>, vector<16xf32>
                %select_n3A_389 = arith.select %gt3A_387, %add3A_386, %select_n3A_370 : vector<16xi1>, vector<16xi32>
                %scan3A_390 = arith.constant 3 : i32
                %scan3A_391 = arith.addi %scan3A_332, %scan3A_390 : i32
                %mul3A_392 = arith.constant 16 : i32
                %mul3A_393 = arith.muli %scan3A_391, %mul3A_392 : i32
                %add3A_394 = arith.addi %mul3A_259, %mul3A_393 : i32
                %get3A_395 = arith.index_cast %add3A_394 : i32 to index
                %get3A_396 = tpu.vector_load %arg4[%get3A_395] {strides = array<i32>} : memref<16384xf32, #tpu.memory_space<vmem>>, vector<16xf32>,
                %mul3A_397 = arith.constant 16 : i32
                %mul3A_398 = arith.muli %scan3A_391, %mul3A_397 : i32
                %get3A_399 = arith.index_cast %mul3A_398 : i32 to index
                %get3A_400 = tpu.vector_load %arg6[%get3A_399] {strides = array<i32>} : memref<512xf32, #tpu.memory_space<vmem>>, vector<16xf32>,
                %mul3A_401 = arith.mulf %get3A_396, %get3A_400 : vector<16xf32>
                %mul3A_402 = arith.constant 16 : i32
                %mul3A_403 = arith.muli %scan3A_391, %mul3A_402 : i32
                %add3A_404 = vector.broadcast %mul3A_403 : i32 to vector<16xi32>
                %add3A_405 = arith.addi %add3A_404, %iota3A : vector<16xi32>
                %gt3A_406 = arith.cmpf ogt, %mul3A_401, %select_n3A_388 : vector<16xf32>
                %select_n3A_407 = arith.select %gt3A_406, %mul3A_401, %select_n3A_388 : vector<16xi1>, vector<16xf32>
                %select_n3A_408 = arith.select %gt3A_406, %add3A_405, %select_n3A_389 : vector<16xi1>, vector<16xi32>
                scf.yield %select_n3A_407, %select_n3A_408 : vector<16xf32>, vector<16xi32>
              }
              %scan3A_265 = arith.constant 32 : i32
              %xor3A = arith.constant 8 : i32
              %xor3A_266 = vector.broadcast %xor3A : i32 to vector<16xi32>
              %xor3A_267 = arith.xori %iota3A, %xor3A_266 : vector<16xi32>
              %reshape3A = vector.shape_cast %xor3A_267 : vector<16xi32> to vector<16x1xi32>
              %gather3A_268 = vector.shape_cast %reshape3A : vector<16x1xi32> to vector<16xi32>
              %gather3A_269 = tpu.dynamic_gather %scan3A_264#0[%gather3A_268] in [0] : vector<16xf32>, vector<16xi32> -> vector<16xf32>
              %reshape3A_270 = vector.shape_cast %xor3A_267 : vector<16xi32> to vector<16x1xi32>
              %gather3A_271 = vector.shape_cast %reshape3A_270 : vector<16x1xi32> to vector<16xi32>
              %gather3A_272 = tpu.dynamic_gather %scan3A_264#1[%gather3A_271] in [0] : vector<16xi32>, vector<16xi32> -> vector<16xi32>
              %gt3A_273 = arith.cmpf ogt, %gather3A_269, %scan3A_264#0 : vector<16xf32>
              %eq3A_274 = arith.cmpf oeq, %gather3A_269, %scan3A_264#0 : vector<16xf32>
              %lt3A = arith.cmpi slt, %gather3A_272, %scan3A_264#1 : vector<16xi32>
              %and3A_275 = arith.andi %eq3A_274, %lt3A : vector<16xi1>
              %or3A = arith.ori %gt3A_273, %and3A_275 : vector<16xi1>
              %select_n3A_276 = arith.select %or3A, %gather3A_269, %scan3A_264#0 : vector<16xi1>, vector<16xf32>
              %select_n3A_277 = arith.select %or3A, %gather3A_272, %scan3A_264#1 : vector<16xi1>, vector<16xi32>
              %xor3A_278 = arith.constant 4 : i32
              %xor3A_279 = vector.broadcast %xor3A_278 : i32 to vector<16xi32>
              %xor3A_280 = arith.xori %iota3A, %xor3A_279 : vector<16xi32>
              %reshape3A_281 = vector.shape_cast %xor3A_280 : vector<16xi32> to vector<16x1xi32>
              %gather3A_282 = vector.shape_cast %reshape3A_281 : vector<16x1xi32> to vector<16xi32>
              %gather3A_283 = tpu.dynamic_gather %select_n3A_276[%gather3A_282] in [0] : vector<16xf32>, vector<16xi32> -> vector<16xf32>
              %reshape3A_284 = vector.shape_cast %xor3A_280 : vector<16xi32> to vector<16x1xi32>
              %gather3A_285 = vector.shape_cast %reshape3A_284 : vector<16x1xi32> to vector<16xi32>
              %gather3A_286 = tpu.dynamic_gather %select_n3A_277[%gather3A_285] in [0] : vector<16xi32>, vector<16xi32> -> vector<16xi32>
              %gt3A_287 = arith.cmpf ogt, %gather3A_283, %select_n3A_276 : vector<16xf32>
              %eq3A_288 = arith.cmpf oeq, %gather3A_283, %select_n3A_276 : vector<16xf32>
              %lt3A_289 = arith.cmpi slt, %gather3A_286, %select_n3A_277 : vector<16xi32>
              %and3A_290 = arith.andi %eq3A_288, %lt3A_289 : vector<16xi1>
              %or3A_291 = arith.ori %gt3A_287, %and3A_290 : vector<16xi1>
              %select_n3A_292 = arith.select %or3A_291, %gather3A_283, %select_n3A_276 : vector<16xi1>, vector<16xf32>
              %select_n3A_293 = arith.select %or3A_291, %gather3A_286, %select_n3A_277 : vector<16xi1>, vector<16xi32>
              %xor3A_294 = arith.constant 2 : i32
              %xor3A_295 = vector.broadcast %xor3A_294 : i32 to vector<16xi32>
              %xor3A_296 = arith.xori %iota3A, %xor3A_295 : vector<16xi32>
              %reshape3A_297 = vector.shape_cast %xor3A_296 : vector<16xi32> to vector<16x1xi32>
              %gather3A_298 = vector.shape_cast %reshape3A_297 : vector<16x1xi32> to vector<16xi32>
              %gather3A_299 = tpu.dynamic_gather %select_n3A_292[%gather3A_298] in [0] : vector<16xf32>, vector<16xi32> -> vector<16xf32>
              %reshape3A_300 = vector.shape_cast %xor3A_296 : vector<16xi32> to vector<16x1xi32>
              %gather3A_301 = vector.shape_cast %reshape3A_300 : vector<16x1xi32> to vector<16xi32>
              %gather3A_302 = tpu.dynamic_gather %select_n3A_293[%gather3A_301] in [0] : vector<16xi32>, vector<16xi32> -> vector<16xi32>
              %gt3A_303 = arith.cmpf ogt, %gather3A_299, %select_n3A_292 : vector<16xf32>
              %eq3A_304 = arith.cmpf oeq, %gather3A_299, %select_n3A_292 : vector<16xf32>
              %lt3A_305 = arith.cmpi slt, %gather3A_302, %select_n3A_293 : vector<16xi32>
              %and3A_306 = arith.andi %eq3A_304, %lt3A_305 : vector<16xi1>
              %or3A_307 = arith.ori %gt3A_303, %and3A_306 : vector<16xi1>
              %select_n3A_308 = arith.select %or3A_307, %gather3A_299, %select_n3A_292 : vector<16xi1>, vector<16xf32>
              %select_n3A_309 = arith.select %or3A_307, %gather3A_302, %select_n3A_293 : vector<16xi1>, vector<16xi32>
              %xor3A_310 = arith.constant 1 : i32
              %xor3A_311 = vector.broadcast %xor3A_310 : i32 to vector<16xi32>
              %xor3A_312 = arith.xori %iota3A, %xor3A_311 : vector<16xi32>
              %reshape3A_313 = vector.shape_cast %xor3A_312 : vector<16xi32> to vector<16x1xi32>
              %gather3A_314 = vector.shape_cast %reshape3A_313 : vector<16x1xi32> to vector<16xi32>
              %gather3A_315 = tpu.dynamic_gather %select_n3A_308[%gather3A_314] in [0] : vector<16xf32>, vector<16xi32> -> vector<16xf32>
              %reshape3A_316 = vector.shape_cast %xor3A_312 : vector<16xi32> to vector<16x1xi32>
              %gather3A_317 = vector.shape_cast %reshape3A_316 : vector<16x1xi32> to vector<16xi32>
              %gather3A_318 = tpu.dynamic_gather %select_n3A_309[%gather3A_317] in [0] : vector<16xi32>, vector<16xi32> -> vector<16xi32>
              %gt3A_319 = arith.cmpf ogt, %gather3A_315, %select_n3A_308 : vector<16xf32>
              %eq3A_320 = arith.cmpf oeq, %gather3A_315, %select_n3A_308 : vector<16xf32>
              %lt3A_321 = arith.cmpi slt, %gather3A_318, %select_n3A_309 : vector<16xi32>
              %and3A_322 = arith.andi %eq3A_320, %lt3A_321 : vector<16xi1>
              %or3A_323 = arith.ori %gt3A_319, %and3A_322 : vector<16xi1>
              %select_n3A_324 = arith.select %or3A_323, %gather3A_315, %select_n3A_308 : vector<16xi1>, vector<16xf32>
              %select_n3A_325 = arith.select %or3A_323, %gather3A_318, %select_n3A_309 : vector<16xi1>, vector<16xi32>
              %eq3A_326 = vector.broadcast %scan3A_232 : i32 to vector<16xi32>
              %eq3A_327 = arith.cmpi eq, %iota3A, %eq3A_326 : vector<16xi32>
              %select_n3A_328 = arith.select %eq3A_327, %select_n3A_324, %scan3A_233 : vector<16xi1>, vector<16xf32>
              %eq3A_329 = vector.broadcast %scan3A_232 : i32 to vector<16xi32>
              %eq3A_330 = arith.cmpi eq, %iota3A, %eq3A_329 : vector<16xi32>
              %select_n3A_331 = arith.select %eq3A_330, %select_n3A_325, %scan3A_234 : vector<16xi1>, vector<16xi32>
              scf.yield %select_n3A_328, %select_n3A_331 : vector<16xf32>, vector<16xi32>
            } else {
              scf.yield %scan3A_233, %scan3A_234 : vector<16xf32>, vector<16xi32>
            }
            scf.yield %cond3A_255#0, %cond3A_255#1 : vector<16xf32>, vector<16xi32>
          }
          %scan3A_231 = arith.constant 16 : i32
          scf.yield %scan3A_230#0, %scan3A_230#1 : vector<16xf32>, vector<16xi32>
        } else {
          scf.yield %broadcast_in_dim3A_1, %broadcast_in_dim3A_3 : vector<16xf32>, vector<16xi32>
        }
        %swap3A_111 = arith.constant 16 : index
        %swap3A_112 = tpu.vector_load %arg9[%swap3A_111] {strides = array<i32>} : memref<32xf32, #tpu.memory_space<vmem>>, vector<16xf32>,
        tpu.vector_store %arg9[%swap3A_111], %cond3A_110#0 {strides = array<i32>} : memref<32xf32, #tpu.memory_space<vmem>>, vector<16xf32>,
        %swap3A_113 = arith.constant 16 : index
        %swap3A_114 = tpu.vector_load %arg10[%swap3A_113] {strides = array<i32>} : memref<32xi32, #tpu.memory_space<vmem>>, vector<16xi32>,
        tpu.vector_store %arg10[%swap3A_113], %cond3A_110#1 {strides = array<i32>} : memref<32xi32, #tpu.memory_space<vmem>>, vector<16xi32>,
        "tpu.region"() ({
          %run_scoped3A = tpu.sem_alloc : memref<!tpu.dma_semaphore, #tpu.memory_space<semaphore_mem>>
          %dma_start3A = tpu.memref_slice %arg12[%mul3A_0] : memref<512xf32, #tpu.memory_space<vmem_shared>> -> memref<32xf32, #tpu.memory_space<vmem_shared>>
          %dma_start3A_226 = tpu.memref_slice %arg12[%mul3A_0] : memref<512xf32, #tpu.memory_space<vmem_shared>> -> memref<32xf32, #tpu.memory_space<vmem_shared>>
          tpu.enqueue_dma source(%arg9 : memref<32xf32, #tpu.memory_space<vmem>>) target(%dma_start3A_226 : memref<32xf32, #tpu.memory_space<vmem_shared>>) target_semaphore(%run_scoped3A : memref<!tpu.dma_semaphore, #tpu.memory_space<semaphore_mem>>)
          %dma_wait3A = tpu.memref_slice %arg12[%mul3A_0] : memref<512xf32, #tpu.memory_space<vmem_shared>> -> memref<32xf32, #tpu.memory_space<vmem_shared>>
          %dma_wait3A_227 = tpu.memref_slice %arg12[%mul3A_0] : memref<512xf32, #tpu.memory_space<vmem_shared>> -> memref<32xf32, #tpu.memory_space<vmem_shared>>
          tpu.wait_dma2 semaphore(%run_scoped3A : memref<!tpu.dma_semaphore, #tpu.memory_space<semaphore_mem>>) src(%arg9 : memref<32xf32, #tpu.memory_space<vmem>>) dst(%dma_wait3A_227 : memref<32xf32, #tpu.memory_space<vmem_shared>>)
          tpu.yield
        }) : () -> ()
        "tpu.region"() ({
          %run_scoped3A = tpu.sem_alloc : memref<!tpu.dma_semaphore, #tpu.memory_space<semaphore_mem>>
          %dma_start3A = tpu.memref_slice %arg13[%mul3A_0] : memref<512xi32, #tpu.memory_space<vmem_shared>> -> memref<32xi32, #tpu.memory_space<vmem_shared>>
          %dma_start3A_226 = tpu.memref_slice %arg13[%mul3A_0] : memref<512xi32, #tpu.memory_space<vmem_shared>> -> memref<32xi32, #tpu.memory_space<vmem_shared>>
          tpu.enqueue_dma source(%arg10 : memref<32xi32, #tpu.memory_space<vmem>>) target(%dma_start3A_226 : memref<32xi32, #tpu.memory_space<vmem_shared>>) target_semaphore(%run_scoped3A : memref<!tpu.dma_semaphore, #tpu.memory_space<semaphore_mem>>)
          %dma_wait3A = tpu.memref_slice %arg13[%mul3A_0] : memref<512xi32, #tpu.memory_space<vmem_shared>> -> memref<32xi32, #tpu.memory_space<vmem_shared>>
          %dma_wait3A_227 = tpu.memref_slice %arg13[%mul3A_0] : memref<512xi32, #tpu.memory_space<vmem_shared>> -> memref<32xi32, #tpu.memory_space<vmem_shared>>
          tpu.wait_dma2 semaphore(%run_scoped3A : memref<!tpu.dma_semaphore, #tpu.memory_space<semaphore_mem>>) src(%arg10 : memref<32xi32, #tpu.memory_space<vmem>>) dst(%dma_wait3A_227 : memref<32xi32, #tpu.memory_space<vmem_shared>>)
          tpu.yield
        }) : () -> ()
        %barrier3A = arith.constant 0 : index
        tpu.barrier barrier_id(%barrier3A)
        "tpu.region"() ({
          %run_scoped3A = tpu.sem_alloc : memref<!tpu.dma_semaphore, #tpu.memory_space<semaphore_mem>>
          tpu.enqueue_dma source(%arg12 : memref<512xf32, #tpu.memory_space<vmem_shared>>) target(%arg7 : memref<512xf32, #tpu.memory_space<vmem>>) target_semaphore(%run_scoped3A : memref<!tpu.dma_semaphore, #tpu.memory_space<semaphore_mem>>)
          tpu.wait_dma2 semaphore(%run_scoped3A : memref<!tpu.dma_semaphore, #tpu.memory_space<semaphore_mem>>) src(%arg12 : memref<512xf32, #tpu.memory_space<vmem_shared>>) dst(%arg7 : memref<512xf32, #tpu.memory_space<vmem>>)
          tpu.yield
        }) : () -> ()
        "tpu.region"() ({
          %run_scoped3A = tpu.sem_alloc : memref<!tpu.dma_semaphore, #tpu.memory_space<semaphore_mem>>
          tpu.enqueue_dma source(%arg13 : memref<512xi32, #tpu.memory_space<vmem_shared>>) target(%arg8 : memref<512xi32, #tpu.memory_space<vmem>>) target_semaphore(%run_scoped3A : memref<!tpu.dma_semaphore, #tpu.memory_space<semaphore_mem>>)
          tpu.wait_dma2 semaphore(%run_scoped3A : memref<!tpu.dma_semaphore, #tpu.memory_space<semaphore_mem>>) src(%arg13 : memref<512xi32, #tpu.memory_space<vmem_shared>>) dst(%arg8 : memref<512xi32, #tpu.memory_space<vmem>>)
          tpu.yield
        }) : () -> ()
        %barrier3A_115 = arith.constant 0 : index
        tpu.barrier barrier_id(%barrier3A_115)
        %scan3A_116 = arith.constant 0 : i32
        %scan3A_117 = arith.constant 32 : i32
        %scan3A_118 = arith.addi %scan3A_116, %scan3A_117 : i32
        %scan3A_119 = arith.constant 1 : i32
        %scan3A_120 = scf.for %scan3A_226 = %scan3A_116 to %scan3A_118 step %scan3A_119 iter_args(%scan3A_227 = %broadcast_in_dim3A_1) -> (vector<16xf32>)  : i32 {
          %mul3A_228 = arith.constant 16 : i32
          %mul3A_229 = arith.muli %scan3A_226, %mul3A_228 : i32
          %get3A_230 = arith.index_cast %mul3A_229 : i32 to index
          %get3A_231 = tpu.vector_load %arg7[%get3A_230] {strides = array<i32>} : memref<512xf32, #tpu.memory_space<vmem>>, vector<16xf32>,
          %gt3A_232 = arith.constant 0.000000e+00 : f32
          %gt3A_233 = vector.broadcast %gt3A_232 : f32 to vector<16xf32>
          %gt3A_234 = arith.cmpf ogt, %get3A_231, %gt3A_233 : vector<16xf32>
          %reduce_or3A_235 = arith.constant 1.000000e+00 : f32
          %reduce_or3A_236 = arith.constant 0.000000e+00 : f32
          %reduce_or3A_237 = vector.broadcast %reduce_or3A_235 : f32 to vector<16xf32>
          %reduce_or3A_238 = vector.broadcast %reduce_or3A_236 : f32 to vector<16xf32>
          %reduce_or3A_239 = arith.select %gt3A_234, %reduce_or3A_237, %reduce_or3A_238 : vector<16xi1>, vector<16xf32>
          %reduce_or3A_240 = arith.constant true
          %reduce_or3A_241 = vector.broadcast %reduce_or3A_240 : i1 to vector<16xi1>
          %reduce_or3A_242 = tpu.scan <max>, %reduce_or3A_239 masked %reduce_or3A_241 : vector<16xf32>, vector<16xi1> -> vector<16xf32>
          %reduce_or3A_243 = vector.extract %reduce_or3A_242[15] : f32 from vector<16xf32>
          %reduce_or3A_244 = arith.constant 0.000000e+00 : f32
          %reduce_or3A_245 = arith.cmpf ogt, %reduce_or3A_243, %reduce_or3A_244 : f32
          %convert_element_type3A_246 = arith.extui %reduce_or3A_245 : i1 to i32
          %cond3A_247 = arith.constant 0 : i32
          %cond3A_248 = arith.cmpi ne, %convert_element_type3A_246, %cond3A_247 : i32
          %cond3A_249 = scf.if %cond3A_248 -> (vector<16xf32>) {
            %mul3A_250 = arith.constant 16 : i32
            %mul3A_251 = arith.muli %scan3A_226, %mul3A_250 : i32
            %get3A_252 = arith.index_cast %mul3A_251 : i32 to index
            %get3A_253 = tpu.vector_load %arg8[%get3A_252] {strides = array<i32>} : memref<512xi32, #tpu.memory_space<vmem>>, vector<16xi32>,
            %gather3A_254 = tpu.vector_load_idx %arg8[%get3A_253] : memref<512xi32, #tpu.memory_space<vmem>>[vector<16xi32>], vector<16xi32>,
            %mul3A_255 = arith.constant 16 : i32
            %mul3A_256 = arith.muli %scan3A_226, %mul3A_255 : i32
            %add3A_257 = vector.broadcast %mul3A_256 : i32 to vector<16xi32>
            %add3A_258 = arith.addi %add3A_257, %iota3A : vector<16xi32>
            %gt3A_259 = arith.constant 0.000000e+00 : f32
            %gt3A_260 = vector.broadcast %gt3A_259 : f32 to vector<16xf32>
            %gt3A_261 = arith.cmpf ogt, %get3A_231, %gt3A_260 : vector<16xf32>
            %eq3A_262 = arith.cmpi eq, %gather3A_254, %add3A_258 : vector<16xi32>
            %and3A_263 = arith.andi %gt3A_261, %eq3A_262 : vector<16xi1>
            %mul3A_264 = arith.constant 16 : i32
            %mul3A_265 = arith.muli %scan3A_226, %mul3A_264 : i32
            %get3A_266 = arith.index_cast %mul3A_265 : i32 to index
            %get3A_267 = tpu.vector_load %arg6[%get3A_266] {strides = array<i32>} : memref<512xf32, #tpu.memory_space<vmem>>, vector<16xf32>,
            %jit3A_268 = arith.constant 0.000000e+00 : f32
            %broadcast_in_dim3A_269 = vector.broadcast %jit3A_268 : f32 to vector<16xf32>
            %select_n3A_270 = arith.select %and3A_263, %broadcast_in_dim3A_269, %get3A_267 : vector<16xi1>, vector<16xf32>
            %mul3A_271 = arith.constant 16 : i32
            %mul3A_272 = arith.muli %scan3A_226, %mul3A_271 : i32
            %swap3A_273 = arith.index_cast %mul3A_272 : i32 to index
            %swap3A_274 = tpu.vector_load %arg6[%swap3A_273] {strides = array<i32>} : memref<512xf32, #tpu.memory_space<vmem>>, vector<16xf32>,
            tpu.vector_store %arg6[%swap3A_273], %select_n3A_270 {strides = array<i32>} : memref<512xf32, #tpu.memory_space<vmem>>, vector<16xf32>,
            %max3A = arith.maximumf %scan3A_227, %get3A_231 : vector<16xf32>
            scf.yield %max3A : vector<16xf32>
          } else {
            scf.yield %scan3A_227 : vector<16xf32>
          }
          scf.yield %cond3A_249 : vector<16xf32>
        }
        %scan3A_121 = arith.constant 32 : i32
        %gt3A_122 = arith.constant 0.000000e+00 : f32
        %gt3A_123 = vector.broadcast %gt3A_122 : f32 to vector<16xf32>
        %gt3A_124 = arith.cmpf ogt, %scan3A_120, %gt3A_123 : vector<16xf32>
        %reduce_or3A_125 = arith.constant 1.000000e+00 : f32
        %reduce_or3A_126 = arith.constant 0.000000e+00 : f32
        %reduce_or3A_127 = vector.broadcast %reduce_or3A_125 : f32 to vector<16xf32>
        %reduce_or3A_128 = vector.broadcast %reduce_or3A_126 : f32 to vector<16xf32>
        %reduce_or3A_129 = arith.select %gt3A_124, %reduce_or3A_127, %reduce_or3A_128 : vector<16xi1>, vector<16xf32>
        %reduce_or3A_130 = arith.constant true
        %reduce_or3A_131 = vector.broadcast %reduce_or3A_130 : i1 to vector<16xi1>
        %reduce_or3A_132 = tpu.scan <max>, %reduce_or3A_129 masked %reduce_or3A_131 : vector<16xf32>, vector<16xi1> -> vector<16xf32>
        %reduce_or3A_133 = vector.extract %reduce_or3A_132[15] : f32 from vector<16xf32>
        %reduce_or3A_134 = arith.constant 0.000000e+00 : f32
        %reduce_or3A_135 = arith.cmpf ogt, %reduce_or3A_133, %reduce_or3A_134 : f32
        %jit3A_136 = arith.constant 16 : i32
        %div3A = arith.divsi %mul3A_0, %jit3A_136 : i32
        %sign3A = arith.constant 0 : i32
        %sign3A_137 = arith.cmpi sgt, %mul3A_0, %sign3A : i32
        %sign3A_138 = arith.extui %sign3A_137 : i1 to i32
        %sign3A_139 = arith.constant 0 : i32
        %sign3A_140 = arith.cmpi slt, %mul3A_0, %sign3A_139 : i32
        %sign3A_141 = arith.extui %sign3A_140 : i1 to i32
        %sign3A_142 = arith.subi %sign3A_138, %sign3A_141 : i32
        %sign3A_143 = arith.constant 0 : i32
        %sign3A_144 = arith.cmpi sgt, %jit3A_136, %sign3A_143 : i32
        %sign3A_145 = arith.extui %sign3A_144 : i1 to i32
        %sign3A_146 = arith.constant 0 : i32
        %sign3A_147 = arith.cmpi slt, %jit3A_136, %sign3A_146 : i32
        %sign3A_148 = arith.extui %sign3A_147 : i1 to i32
        %sign3A_149 = arith.subi %sign3A_145, %sign3A_148 : i32
        %ne3A = arith.cmpi ne, %sign3A_142, %sign3A_149 : i32
        %rem3A = arith.remsi %mul3A_0, %jit3A_136 : i32
        %ne3A_150 = arith.constant 0 : i32
        %ne3A_151 = arith.cmpi ne, %rem3A, %ne3A_150 : i32
        %and3A = arith.andi %ne3A, %ne3A_151 : i1
        %sub3A = arith.constant 1 : i32
        %sub3A_152 = arith.subi %div3A, %sub3A : i32
        %select_n3A_153 = arith.select %and3A, %sub3A_152, %div3A : i32
        %add3A_154 = arith.constant 0 : i32
        %add3A_155 = arith.addi %select_n3A_153, %add3A_154 : i32
        %mul3A_156 = arith.constant 16 : i32
        %mul3A_157 = arith.muli %add3A_155, %mul3A_156 : i32
        %get3A_158 = arith.index_cast %mul3A_157 : i32 to index
        %get3A_159 = tpu.vector_load %arg7[%get3A_158] {strides = array<i32>} : memref<512xf32, #tpu.memory_space<vmem>>, vector<16xf32>,
        %gt3A_160 = arith.constant 0.000000e+00 : f32
        %gt3A_161 = vector.broadcast %gt3A_160 : f32 to vector<16xf32>
        %gt3A_162 = arith.cmpf ogt, %get3A_159, %gt3A_161 : vector<16xf32>
        %reduce_or3A_163 = arith.constant 1.000000e+00 : f32
        %reduce_or3A_164 = arith.constant 0.000000e+00 : f32
        %reduce_or3A_165 = vector.broadcast %reduce_or3A_163 : f32 to vector<16xf32>
        %reduce_or3A_166 = vector.broadcast %reduce_or3A_164 : f32 to vector<16xf32>
        %reduce_or3A_167 = arith.select %gt3A_162, %reduce_or3A_165, %reduce_or3A_166 : vector<16xi1>, vector<16xf32>
        %reduce_or3A_168 = arith.constant true
        %reduce_or3A_169 = vector.broadcast %reduce_or3A_168 : i1 to vector<16xi1>
        %reduce_or3A_170 = tpu.scan <max>, %reduce_or3A_167 masked %reduce_or3A_169 : vector<16xf32>, vector<16xi1> -> vector<16xf32>
        %reduce_or3A_171 = vector.extract %reduce_or3A_170[15] : f32 from vector<16xf32>
        %reduce_or3A_172 = arith.constant 0.000000e+00 : f32
        %reduce_or3A_173 = arith.cmpf ogt, %reduce_or3A_171, %reduce_or3A_172 : f32
        %convert_element_type3A_174 = arith.extui %reduce_or3A_173 : i1 to i32
        %cond3A_175 = arith.constant 0 : i32
        %cond3A_176 = arith.constant 0 : i32
        %cond3A_177 = arith.cmpi ne, %convert_element_type3A_174, %cond3A_176 : i32
        scf.if %cond3A_177 {
          %mul3A_226 = arith.constant 16 : i32
          %mul3A_227 = arith.muli %add3A_155, %mul3A_226 : i32
          %get3A_228 = arith.index_cast %mul3A_227 : i32 to index
          %get3A_229 = tpu.vector_load %arg8[%get3A_228] {strides = array<i32>} : memref<512xi32, #tpu.memory_space<vmem>>, vector<16xi32>,
          %gather3A_230 = tpu.vector_load_idx %arg8[%get3A_229] : memref<512xi32, #tpu.memory_space<vmem>>[vector<16xi32>], vector<16xi32>,
          %mul3A_231 = arith.constant 16 : i32
          %mul3A_232 = arith.muli %add3A_155, %mul3A_231 : i32
          %add3A_233 = vector.broadcast %mul3A_232 : i32 to vector<16xi32>
          %add3A_234 = arith.addi %add3A_233, %iota3A : vector<16xi32>
          %gt3A_235 = arith.constant 0.000000e+00 : f32
          %gt3A_236 = vector.broadcast %gt3A_235 : f32 to vector<16xf32>
          %gt3A_237 = arith.cmpf ogt, %get3A_159, %gt3A_236 : vector<16xf32>
          %eq3A_238 = arith.cmpi eq, %gather3A_230, %add3A_234 : vector<16xi32>
          %and3A_239 = arith.andi %gt3A_237, %eq3A_238 : vector<16xi1>
          %get3A_240 = arith.constant 0 : index
          %get3A_241 = tpu.vector_load %arg11[%get3A_240] {strides = array<i32>} : memref<32xi32, #tpu.memory_space<vmem>>, vector<16xi32>,
          %select_n3A_242 = arith.select %and3A_239, %get3A_229, %get3A_241 : vector<16xi1>, vector<16xi32>
          %swap3A_243 = arith.constant 0 : index
          %swap3A_244 = tpu.vector_load %arg11[%swap3A_243] {strides = array<i32>} : memref<32xi32, #tpu.memory_space<vmem>>, vector<16xi32>,
          tpu.vector_store %arg11[%swap3A_243], %select_n3A_242 {strides = array<i32>} : memref<32xi32, #tpu.memory_space<vmem>>, vector<16xi32>,
        } else {
        }
        %jit3A_178 = arith.constant 16 : i32
        %div3A_179 = arith.divsi %mul3A_0, %jit3A_178 : i32
        %sign3A_180 = arith.constant 0 : i32
        %sign3A_181 = arith.cmpi sgt, %mul3A_0, %sign3A_180 : i32
        %sign3A_182 = arith.extui %sign3A_181 : i1 to i32
        %sign3A_183 = arith.constant 0 : i32
        %sign3A_184 = arith.cmpi slt, %mul3A_0, %sign3A_183 : i32
        %sign3A_185 = arith.extui %sign3A_184 : i1 to i32
        %sign3A_186 = arith.subi %sign3A_182, %sign3A_185 : i32
        %sign3A_187 = arith.constant 0 : i32
        %sign3A_188 = arith.cmpi sgt, %jit3A_178, %sign3A_187 : i32
        %sign3A_189 = arith.extui %sign3A_188 : i1 to i32
        %sign3A_190 = arith.constant 0 : i32
        %sign3A_191 = arith.cmpi slt, %jit3A_178, %sign3A_190 : i32
        %sign3A_192 = arith.extui %sign3A_191 : i1 to i32
        %sign3A_193 = arith.subi %sign3A_189, %sign3A_192 : i32
        %ne3A_194 = arith.cmpi ne, %sign3A_186, %sign3A_193 : i32
        %rem3A_195 = arith.remsi %mul3A_0, %jit3A_178 : i32
        %ne3A_196 = arith.constant 0 : i32
        %ne3A_197 = arith.cmpi ne, %rem3A_195, %ne3A_196 : i32
        %and3A_198 = arith.andi %ne3A_194, %ne3A_197 : i1
        %sub3A_199 = arith.constant 1 : i32
        %sub3A_200 = arith.subi %div3A_179, %sub3A_199 : i32
        %select_n3A_201 = arith.select %and3A_198, %sub3A_200, %div3A_179 : i32
        %add3A_202 = arith.constant 1 : i32
        %add3A_203 = arith.addi %select_n3A_201, %add3A_202 : i32
        %mul3A_204 = arith.constant 16 : i32
        %mul3A_205 = arith.muli %add3A_203, %mul3A_204 : i32
        %get3A_206 = arith.index_cast %mul3A_205 : i32 to index
        %get3A_207 = tpu.vector_load %arg7[%get3A_206] {strides = array<i32>} : memref<512xf32, #tpu.memory_space<vmem>>, vector<16xf32>,
        %gt3A_208 = arith.constant 0.000000e+00 : f32
        %gt3A_209 = vector.broadcast %gt3A_208 : f32 to vector<16xf32>
        %gt3A_210 = arith.cmpf ogt, %get3A_207, %gt3A_209 : vector<16xf32>
        %reduce_or3A_211 = arith.constant 1.000000e+00 : f32
        %reduce_or3A_212 = arith.constant 0.000000e+00 : f32
        %reduce_or3A_213 = vector.broadcast %reduce_or3A_211 : f32 to vector<16xf32>
        %reduce_or3A_214 = vector.broadcast %reduce_or3A_212 : f32 to vector<16xf32>
        %reduce_or3A_215 = arith.select %gt3A_210, %reduce_or3A_213, %reduce_or3A_214 : vector<16xi1>, vector<16xf32>
        %reduce_or3A_216 = arith.constant true
        %reduce_or3A_217 = vector.broadcast %reduce_or3A_216 : i1 to vector<16xi1>
        %reduce_or3A_218 = tpu.scan <max>, %reduce_or3A_215 masked %reduce_or3A_217 : vector<16xf32>, vector<16xi1> -> vector<16xf32>
        %reduce_or3A_219 = vector.extract %reduce_or3A_218[15] : f32 from vector<16xf32>
        %reduce_or3A_220 = arith.constant 0.000000e+00 : f32
        %reduce_or3A_221 = arith.cmpf ogt, %reduce_or3A_219, %reduce_or3A_220 : f32
        %convert_element_type3A_222 = arith.extui %reduce_or3A_221 : i1 to i32
        %cond3A_223 = arith.constant 0 : i32
        %cond3A_224 = arith.constant 0 : i32
        %cond3A_225 = arith.cmpi ne, %convert_element_type3A_222, %cond3A_224 : i32
        scf.if %cond3A_225 {
          %mul3A_226 = arith.constant 16 : i32
          %mul3A_227 = arith.muli %add3A_203, %mul3A_226 : i32
          %get3A_228 = arith.index_cast %mul3A_227 : i32 to index
          %get3A_229 = tpu.vector_load %arg8[%get3A_228] {strides = array<i32>} : memref<512xi32, #tpu.memory_space<vmem>>, vector<16xi32>,
          %gather3A_230 = tpu.vector_load_idx %arg8[%get3A_229] : memref<512xi32, #tpu.memory_space<vmem>>[vector<16xi32>], vector<16xi32>,
          %mul3A_231 = arith.constant 16 : i32
          %mul3A_232 = arith.muli %add3A_203, %mul3A_231 : i32
          %add3A_233 = vector.broadcast %mul3A_232 : i32 to vector<16xi32>
          %add3A_234 = arith.addi %add3A_233, %iota3A : vector<16xi32>
          %gt3A_235 = arith.constant 0.000000e+00 : f32
          %gt3A_236 = vector.broadcast %gt3A_235 : f32 to vector<16xf32>
          %gt3A_237 = arith.cmpf ogt, %get3A_207, %gt3A_236 : vector<16xf32>
          %eq3A_238 = arith.cmpi eq, %gather3A_230, %add3A_234 : vector<16xi32>
          %and3A_239 = arith.andi %gt3A_237, %eq3A_238 : vector<16xi1>
          %get3A_240 = arith.constant 16 : index
          %get3A_241 = tpu.vector_load %arg11[%get3A_240] {strides = array<i32>} : memref<32xi32, #tpu.memory_space<vmem>>, vector<16xi32>,
          %select_n3A_242 = arith.select %and3A_239, %get3A_229, %get3A_241 : vector<16xi1>, vector<16xi32>
          %swap3A_243 = arith.constant 16 : index
          %swap3A_244 = tpu.vector_load %arg11[%swap3A_243] {strides = array<i32>} : memref<32xi32, #tpu.memory_space<vmem>>, vector<16xi32>,
          tpu.vector_store %arg11[%swap3A_243], %select_n3A_242 {strides = array<i32>} : memref<32xi32, #tpu.memory_space<vmem>>, vector<16xi32>,
        } else {
        }
        scf.yield %reduce_or3A_135 : i1
      } else {
        scf.yield %scan3A_58 : i1
      }
      scf.yield %cond3A_62 : i1
    }
    %scan3A_28 = arith.constant 256 : i32
    %get3A = arith.constant 0 : index
    %get3A_29 = tpu.vector_load %arg11[%get3A] {strides = array<i32>} : memref<32xi32, #tpu.memory_space<vmem>>, vector<16xi32>,
    %ge3A = arith.constant 0 : i32
    %ge3A_30 = vector.broadcast %ge3A : i32 to vector<16xi32>
    %ge3A_31 = arith.cmpi sge, %get3A_29, %ge3A_30 : vector<16xi32>
    %jit3A = arith.constant 0 : i32
    %broadcast_in_dim3A_32 = vector.broadcast %jit3A : i32 to vector<16xi32>
    %select_n3A = arith.select %ge3A_31, %get3A_29, %broadcast_in_dim3A_32 : vector<16xi1>, vector<16xi32>
    %add3A = arith.constant 0 : i32
    %add3A_33 = vector.broadcast %add3A : i32 to vector<16xi32>
    %add3A_34 = arith.addi %add3A_33, %iota3A : vector<16xi32>
    %mul3A_35 = arith.constant 512 : i32
    %mul3A_36 = vector.broadcast %mul3A_35 : i32 to vector<16xi32>
    %mul3A_37 = arith.muli %add3A_34, %mul3A_36 : vector<16xi32>
    %add3A_38 = arith.addi %mul3A_37, %select_n3A : vector<16xi32>
    %gather3A = tpu.vector_load_idx %arg4[%add3A_38] masked %ge3A_31 : memref<16384xf32, #tpu.memory_space<vmem>>[vector<16xi32>], vector<16xf32>, vector<16xi1>
    tpu.vector_store_idx %arg5[%add3A_38], %gather3A masked %ge3A_31 : memref<16384xf32, #tpu.memory_space<vmem>>[vector<16xi32>], vector<16xf32>, vector<16xi1>
    %get3A_39 = arith.constant 16 : index
    %get3A_40 = tpu.vector_load %arg11[%get3A_39] {strides = array<i32>} : memref<32xi32, #tpu.memory_space<vmem>>, vector<16xi32>,
    %ge3A_41 = arith.constant 0 : i32
    %ge3A_42 = vector.broadcast %ge3A_41 : i32 to vector<16xi32>
    %ge3A_43 = arith.cmpi sge, %get3A_40, %ge3A_42 : vector<16xi32>
    %jit3A_44 = arith.constant 0 : i32
    %broadcast_in_dim3A_45 = vector.broadcast %jit3A_44 : i32 to vector<16xi32>
    %select_n3A_46 = arith.select %ge3A_43, %get3A_40, %broadcast_in_dim3A_45 : vector<16xi1>, vector<16xi32>
    %add3A_47 = arith.constant 16 : i32
    %add3A_48 = vector.broadcast %add3A_47 : i32 to vector<16xi32>
    %add3A_49 = arith.addi %add3A_48, %iota3A : vector<16xi32>
    %mul3A_50 = arith.constant 512 : i32
    %mul3A_51 = vector.broadcast %mul3A_50 : i32 to vector<16xi32>
    %mul3A_52 = arith.muli %add3A_49, %mul3A_51 : vector<16xi32>
    %add3A_53 = arith.addi %mul3A_52, %select_n3A_46 : vector<16xi32>
    %gather3A_54 = tpu.vector_load_idx %arg4[%add3A_53] masked %ge3A_43 : memref<16384xf32, #tpu.memory_space<vmem>>[vector<16xi32>], vector<16xf32>, vector<16xi1>
    tpu.vector_store_idx %arg5[%add3A_53], %gather3A_54 masked %ge3A_43 : memref<16384xf32, #tpu.memory_space<vmem>>[vector<16xi32>], vector<16xf32>, vector<16xi1>
    %eq3A = arith.constant 0 : i32
    %eq3A_55 = arith.cmpi eq, %arg0, %eq3A : i32
    %convert_element_type3A = arith.extui %eq3A_55 : i1 to i32
    %cond3A = arith.constant 0 : i32
    %cond3A_56 = arith.cmpi ne, %convert_element_type3A, %cond3A : i32
    scf.if %cond3A_56 {
      %mul3A_57 = arith.constant 512 : i32
      %mul3A_58 = arith.muli %mul3A_0, %mul3A_57 : i32
      "tpu.region"() ({
        %run_scoped3A = tpu.sem_alloc : memref<!tpu.dma_semaphore, #tpu.memory_space<semaphore_mem>>
        %dma_start3A = tpu.memref_slice %arg3[%mul3A_58] : memref<262144xf32, #tpu.memory_space<hbm>> -> memref<16384xf32, #tpu.memory_space<hbm>>
        %dma_start3A_59 = tpu.memref_slice %arg3[%mul3A_58] : memref<262144xf32, #tpu.memory_space<hbm>> -> memref<16384xf32, #tpu.memory_space<hbm>>
        tpu.enqueue_dma source(%arg5 : memref<16384xf32, #tpu.memory_space<vmem>>) target(%dma_start3A_59 : memref<16384xf32, #tpu.memory_space<hbm>>) target_semaphore(%run_scoped3A : memref<!tpu.dma_semaphore, #tpu.memory_space<semaphore_mem>>)
        %dma_wait3A = tpu.memref_slice %arg3[%mul3A_58] : memref<262144xf32, #tpu.memory_space<hbm>> -> memref<16384xf32, #tpu.memory_space<hbm>>
        %dma_wait3A_60 = tpu.memref_slice %arg3[%mul3A_58] : memref<262144xf32, #tpu.memory_space<hbm>> -> memref<16384xf32, #tpu.memory_space<hbm>>
        tpu.wait_dma2 semaphore(%run_scoped3A : memref<!tpu.dma_semaphore, #tpu.memory_space<semaphore_mem>>) src(%arg5 : memref<16384xf32, #tpu.memory_space<vmem>>) dst(%dma_wait3A_60 : memref<16384xf32, #tpu.memory_space<hbm>>)
        tpu.yield
      }) : () -> ()
    } else {
    }
    return
  }
}

module attributes {stable_mosaic.version = 14 : i64} {
  func.func @_mask_kernel(%arg0: memref<512x512xf32, #tpu.memory_space<vmem>>, %arg1: memref<8x512xf32, #tpu.memory_space<vmem>>, %arg2: memref<512x512xf32, #tpu.memory_space<vmem>>) attributes {dimension_semantics = [], scalar_prefetch = 0 : i64, scratch_operands = 0 : i64, tpu.core_type = #tpu.core_type<tc>} {
    %get3A = arith.constant 0 : index
    %get3A_0 = arith.constant 0 : index
    %get3A_1 = vector.load %arg0[%get3A, %get3A_0] : memref<512x512xf32, #tpu.memory_space<vmem>>, vector<512x512xf32>
    %transpose3A = tpu.transpose %get3A_1, [1, 0] : vector<512x512xf32> -> vector<512x512xf32>
    %add3A = arith.addf %get3A_1, %transpose3A : vector<512x512xf32>
    %mul3A = arith.constant 5.000000e-01 : f32
    %mul3A_2 = vector.broadcast %mul3A : f32 to vector<512x512xf32>
    %mul3A_3 = arith.mulf %add3A, %mul3A_2 : vector<512x512xf32>
    %iota3A = tpu.iota {dimensions = array<i32: 0>} : vector<512x512xi32>
    %iota3A_4 = tpu.iota {dimensions = array<i32: 1>} : vector<512x512xi32>
    %sub3A = arith.subi %iota3A, %iota3A_4 : vector<512x512xi32>
    %abs3A = math.absi %sub3A : vector<512x512xi32>
    %ge3A = arith.constant 4 : i32
    %ge3A_5 = vector.broadcast %ge3A : i32 to vector<512x512xi32>
    %ge3A_6 = arith.cmpi sge, %abs3A, %ge3A_5 : vector<512x512xi32>
    %get3A_7 = arith.constant 0 : index
    %get3A_8 = arith.constant 0 : index
    %get3A_9 = vector.load %arg1[%get3A_7, %get3A_8] : memref<8x512xf32, #tpu.memory_space<vmem>>, vector<8x512xf32>
    %slice3A = vector.extract_strided_slice %get3A_9 {offsets = [0, 0], sizes = [1, 512], strides = [1, 1]} : vector<8x512xf32> to vector<1x512xf32>
    %broadcast_in_dim3A = arith.constant 2.000000e+00 : f32
    %broadcast_in_dim3A_10 = vector.broadcast %broadcast_in_dim3A : f32 to vector<1x512xf32>
    %slice3A_11 = vector.extract_strided_slice %get3A_9 {offsets = [1, 0], sizes = [1, 512], strides = [1, 1]} : vector<8x512xf32> to vector<1x512xf32>
    %gt3A = arith.cmpf ogt, %slice3A_11, %slice3A : vector<1x512xf32>
    %select_n3A = arith.select %gt3A, %slice3A_11, %slice3A : vector<1x512xi1>, vector<1x512xf32>
    %jit3A = arith.constant 3.000000e+00 : f32
    %broadcast_in_dim3A_12 = vector.broadcast %jit3A : f32 to vector<1x512xf32>
    %select_n3A_13 = arith.select %gt3A, %broadcast_in_dim3A_12, %broadcast_in_dim3A_10 : vector<1x512xi1>, vector<1x512xf32>
    %slice3A_14 = vector.extract_strided_slice %get3A_9 {offsets = [2, 0], sizes = [1, 512], strides = [1, 1]} : vector<8x512xf32> to vector<1x512xf32>
    %gt3A_15 = arith.cmpf ogt, %slice3A_14, %select_n3A : vector<1x512xf32>
    %select_n3A_16 = arith.select %gt3A_15, %slice3A_14, %select_n3A : vector<1x512xi1>, vector<1x512xf32>
    %jit3A_17 = arith.constant 5.000000e+00 : f32
    %broadcast_in_dim3A_18 = vector.broadcast %jit3A_17 : f32 to vector<1x512xf32>
    %select_n3A_19 = arith.select %gt3A_15, %broadcast_in_dim3A_18, %select_n3A_13 : vector<1x512xi1>, vector<1x512xf32>
    %slice3A_20 = vector.extract_strided_slice %get3A_9 {offsets = [3, 0], sizes = [1, 512], strides = [1, 1]} : vector<8x512xf32> to vector<1x512xf32>
    %gt3A_21 = arith.cmpf ogt, %slice3A_20, %select_n3A_16 : vector<1x512xf32>
    %jit3A_22 = arith.constant 7.000000e+00 : f32
    %broadcast_in_dim3A_23 = vector.broadcast %jit3A_22 : f32 to vector<1x512xf32>
    %select_n3A_24 = arith.select %gt3A_21, %broadcast_in_dim3A_23, %select_n3A_19 : vector<1x512xi1>, vector<1x512xf32>
    %broadcast_in_dim3A_25 = vector.shape_cast %select_n3A_24 : vector<1x512xf32> to vector<1x512xf32>
    %broadcast_in_dim3A_26 = vector.broadcast %broadcast_in_dim3A_25 : vector<1x512xf32> to vector<512x512xf32>
    %transpose3A_27 = tpu.transpose %broadcast_in_dim3A_26, [1, 0] : vector<512x512xf32> -> vector<512x512xf32>
    %mul3A_28 = arith.mulf %broadcast_in_dim3A_26, %transpose3A_27 : vector<512x512xf32>
    %eq3A = arith.constant 1.400000e+01 : f32
    %eq3A_29 = vector.broadcast %eq3A : f32 to vector<512x512xf32>
    %eq3A_30 = arith.cmpf oeq, %mul3A_28, %eq3A_29 : vector<512x512xf32>
    %eq3A_31 = arith.constant 1.500000e+01 : f32
    %eq3A_32 = vector.broadcast %eq3A_31 : f32 to vector<512x512xf32>
    %eq3A_33 = arith.cmpf oeq, %mul3A_28, %eq3A_32 : vector<512x512xf32>
    %or3A = arith.ori %eq3A_30, %eq3A_33 : vector<512x512xi1>
    %eq3A_34 = arith.constant 3.500000e+01 : f32
    %eq3A_35 = vector.broadcast %eq3A_34 : f32 to vector<512x512xf32>
    %eq3A_36 = arith.cmpf oeq, %mul3A_28, %eq3A_35 : vector<512x512xf32>
    %or3A_37 = arith.ori %or3A, %eq3A_36 : vector<512x512xi1>
    %and3A = arith.andi %ge3A_6, %or3A_37 : vector<512x512xi1>
    %jit3A_38 = arith.constant 0.000000e+00 : f32
    %broadcast_in_dim3A_39 = vector.broadcast %jit3A_38 : f32 to vector<512x512xf32>
    %select_n3A_40 = arith.select %and3A, %mul3A_3, %broadcast_in_dim3A_39 : vector<512x512xi1>, vector<512x512xf32>
    %gt3A_41 = arith.constant 0.000000e+00 : f32
    %gt3A_42 = vector.broadcast %gt3A_41 : f32 to vector<512x512xf32>
    %gt3A_43 = arith.cmpf ogt, %select_n3A_40, %gt3A_42 : vector<512x512xf32>
    %jit3A_44 = arith.constant 0.000000e+00 : f32
    %broadcast_in_dim3A_45 = vector.broadcast %jit3A_44 : f32 to vector<512x512xf32>
    %select_n3A_46 = arith.select %gt3A_43, %select_n3A_40, %broadcast_in_dim3A_45 : vector<512x512xi1>, vector<512x512xf32>
    %swap3A = arith.constant 0 : index
    %swap3A_47 = arith.constant 0 : index
    %swap3A_48 = vector.load %arg2[%swap3A, %swap3A_47] : memref<512x512xf32, #tpu.memory_space<vmem>>, vector<512x512xf32>
    tpu.vector_store %arg2[%swap3A, %swap3A_47], %select_n3A_46 {strides = array<i32>} : memref<512x512xf32, #tpu.memory_space<vmem>>, vector<512x512xf32>,
    return
  }
}

</mosaic_0001>

<sc_bundles>
// kernel: kernel.4.cloned.1.call-start
scs
__scs_entry_jumppad:
0x0: {  	(pc) =	sbr.rel $0x88, $3  }
0x1: {  	(tag) =	ssettag $0x0;
	lr =	simm.s32 $0x1  }
0x2: {  	[smem:$0x3F9F] =	sst lr;
	_ =	strace $0xD0000000  }
0x3: {  	_ = 	snop  }
0x4: {  	_ = 	snop  }
0x5: {  	_ = 	snop  }
0x6: {  	_ = 	snop  }
0x7: {  	_ = 	snop  }
__scs_overlays_trampoline_lowered:
0x8: {  	[smem:$0x3FAE] =	sst s0  }
0x9: {  	[smem:$0x3FAF] =	sst s1  }
0xa: {  	[smem:$0x3FB0] =	sst s2  }
0xb: {  	[smem:$0x3FB1] =	sst s3  }
0xc: {  	[smem:$0x3FB2] =	sst s4  }
0xd: {  	[smem:$0x3FB3] =	sst s5  }
0xe: {  	[smem:$0x3FB4] =	sst s6  }
0xf: {  	[smem:$0x3FB5] =	sst s7  }
0x10: {  	[smem:$0x3FB6] =	sst s8  }
0x11: {  	[smem:$0x3FB7] =	sst s9;
	s0 =	simm.s32 @!p0 $0x0  }
0x12: {  	s1 =	sld [smem:$0x3F9D];
	s0 =	simm.s32 @p0 $0x1  }
0x13: {  	[smem:$0x3FB8] =	sst s0;
	s0 =	simm.s32 @!p1 $0x0  }
0x14: {  	s2 =	sld [smem:$0x3F9C];
	s0 =	simm.s32 @p1 $0x1  }
0x15: {  	[smem:$0x3FB9] =	sst s0;
	s0 =	simm.s32 @!p2 $0x0  }
0x16: {  	s3 =	sld [smem:$0x3FDB];
	s0 =	simm.s32 @p2 $0x1  }
0x17: {  	s4 =	simm.s32 $0x1BF5;
	[smem:$0x3FBB] =	sst s0  }
0x18: {  	s0 =	sld [smem:$0x3F9E];
	_ =	swait.ge [sflag:s4], $0x0  }
0x19: {  	s7 =	sld [smem:$0x3F9F]  }
0x1a: {  	s8 =	sadd.s32 $0xFFFFE003, lr  }
0x1b: {  	s9 =	sadd.s32 $0xFFFFFEF7, lr;
	s5 =	simm.s32 $0xFFFFFFFF;
	p2 =	slt.u32 s8, $0xFFFFF086  }
0x1c: {  	p1 =	slt.u32 s9, $0xF7A;
	s5 =	simm.s32 @!p2 $0x0  }
0x1d: {  	s5 =	simm.s32 @p1 $0x1;
	p0 =	seq.s32 s7, s2  }
0x1e: {  	s7 =	smul.u32 @!p0 $0xF7A, s2;
	p2 =	seq.s32 @!p0 s5, $0x0  }
0x1f: {  	s9 =	smul.u32 $0xF7A, s1;
	s8 =	simm.s32 @!p0 $0x1BF5;
	p2 =	por !p2, p0  }
0x20: {  	[sflag:s8] =	ssyncset.s32 @!p0 $0xFFFFF086;
	s6 =	sadd.s32 @!p0 s3, s7;
	s7 =	simm.s32 @!p0 $0x108  }
0x21: {  	s3 =	sadd.s32 s3, s9;
	s6 =	sadd.s32 @!p0 $0x88, s6;
	s7 =	simm.s32 @p2 $0x1082  }
0x22: {  	[simem:s7], [sflag:s8] =	dma.local @!p0 [hbm:s6], $0xF7A  }
0x23: {  	s9 =	sor.u32 $0xD0000000, s2;
	s6 =	simm.s32 $0x108;
	_ =	swait.ge @!p0 [sflag:s8], $0x0  }
0x24: {  	s3 =	sadd.s32 $0x88, s3;
	s6 =	simm.s32 @!p1 $0x1082;
	[sflag:s4] =	ssyncset.s32 $0xFFFFF086  }
0x25: {  	[simem:s6], [sflag:s4] =	dma.local [hbm:s3], $0xF7A  }
0x26: {  	[smem:$0x3F9F] =	sst s1;
	(tag) =	ssettag s2;
	_ =	strace s9  }
0x27: {  	s1 =	sld [smem:$0x3FAF]  }
0x28: {  	s2 =	sld [smem:$0x3FB0]  }
0x29: {  	s4 =	sld [smem:$0x3FB2]  }
0x2a: {  	p0 =	seq.s32 s5, $0x0;
	s5 =	sld [smem:$0x3FB3]  }
0x2b: {  	s6 =	sld [smem:$0x3FB4]  }
0x2c: {  	s7 =	sld [smem:$0x3FB5]  }
0x2d: {  	s3 =	simm.s32 $0x108;
	s8 =	sld [smem:$0x3FB6]  }
0x2e: {  	s3 =	simm.s32 @!p0 $0x1082;
	s9 =	sld [smem:$0x3FB7]  }
0x2f: {  	lr =	sadd.s32 s0, s3;
	s0 =	sld [smem:$0x3FAE]  }
0x30: {  	s3 =	sld [smem:$0x3FB1]  }
0x31: {  	[smem:$0x3FBA] =	sst s10  }
0x32: {  	s10 =	sld [smem:$0x3FB8];
	_ =	sdelay $0x3  }
0x33: {  	p0 =	seq.s32 s10, $0x1;
	s10 =	sld [smem:$0x3FBA];
	_ =	sdelay $0x3  }
0x34: {  	[smem:$0x3FBA] =	sst s10  }
0x35: {  	s10 =	sld [smem:$0x3FB9];
	_ =	sdelay $0x3  }
0x36: {  	p1 =	seq.s32 s10, $0x1;
	s10 =	sld [smem:$0x3FBA];
	_ =	sdelay $0x3  }
0x37: {  	[smem:$0x3FBA] =	sst s10  }
0x38: {  	s10 =	sld [smem:$0x3FBB]  }
0x39: {  	_ = 	snop;
	(pc) =	sbr.ind lr, $3  }
0x3a: {  	_ = 	snop  }
0x3b: {  	_ = 	snop  }
0x3c: {  	p2 =	seq.s32 s10, $0x1;
	s10 =	sld [smem:$0x3FBA]  }
0x3d: {  	_ =	shalt  }
0x3e: {  	_ =	shalt  }
0x3f: {  	_ =	shalt  }
0x40: {  	_ =	shalt  }
0x41: {  	_ =	shalt  }
0x42: {  	_ =	shalt  }
0x43: {  	_ =	shalt  }
0x44: {  	_ =	shalt  }
0x45: {  	_ =	shalt  }
0x46: {  	_ =	shalt  }
0x47: {  	_ =	shalt  }
0x48: {  	_ =	shalt  }
0x49: {  	_ =	shalt  }
0x4a: {  	_ =	shalt  }
0x4b: {  	_ =	shalt  }
0x4c: {  	_ =	shalt  }
0x4d: {  	_ =	shalt  }
0x4e: {  	_ =	shalt  }
0x4f: {  	_ =	shalt  }
0x50: {  	_ =	shalt  }
0x51: {  	_ =	shalt  }
0x52: {  	_ =	shalt  }
0x53: {  	_ =	shalt  }
0x54: {  	_ =	shalt  }
0x55: {  	_ =	shalt  }
0x56: {  	_ =	shalt  }
0x57: {  	_ =	shalt  }
0x58: {  	_ =	shalt  }
0x59: {  	_ =	shalt  }
0x5a: {  	_ =	shalt  }
0x5b: {  	_ =	shalt  }
0x5c: {  	_ =	shalt  }
0x5d: {  	_ =	shalt  }
0x5e: {  	_ =	shalt  }
0x5f: {  	_ =	shalt  }
0x60: {  	_ =	shalt  }
0x61: {  	_ =	shalt  }
0x62: {  	_ =	shalt  }
0x63: {  	_ =	shalt  }
0x64: {  	_ =	shalt  }
0x65: {  	_ =	shalt  }
0x66: {  	_ =	shalt  }
0x67: {  	_ =	shalt  }
0x68: {  	_ =	shalt  }
0x69: {  	_ =	shalt  }
0x6a: {  	_ =	shalt  }
0x6b: {  	_ =	shalt  }
0x6c: {  	_ =	shalt  }
0x6d: {  	_ =	shalt  }
0x6e: {  	_ =	shalt  }
0x6f: {  	_ =	shalt  }
0x70: {  	_ =	shalt  }
0x71: {  	_ =	shalt  }
0x72: {  	_ =	shalt  }
0x73: {  	_ =	shalt  }
0x74: {  	_ =	shalt  }
0x75: {  	_ =	shalt  }
0x76: {  	_ =	shalt  }
0x77: {  	_ =	shalt  }
0x78: {  	_ =	shalt  }
0x79: {  	_ =	shalt  }
0x7a: {  	_ =	shalt  }
0x7b: {  	_ =	shalt  }
0x7c: {  	_ =	shalt  }
0x7d: {  	_ =	shalt  }
0x7e: {  	_ =	shalt  }
0x7f: {  	_ =	shalt  }
0x80: {  	_ =	shalt  }
0x81: {  	_ =	shalt  }
0x82: {  	_ =	shalt  }
0x83: {  	_ =	shalt  }
0x84: {  	_ =	shalt  }
0x85: {  	_ =	shalt  }
0x86: {  	_ =	shalt  }
0x87: {  	_ =	shalt  }
.Lfunc_end0:
.L_simem_size_0:
called_computation_lowered:
.L_overlay_start_0:
0x88: {  	s2 =	sld [smem:$0x3FD9]  }
0x89: {  	s3 =	sld [smem:$0x3FFE];
	_ =	sdelay $0x1  }
0x8a: {  	s1 =	srdreg.scid  }
0x8b: {  	s0 =	sand.u32 $0x1, s1  }
0x8c: {  	s17 =	sshll.u32 s0, $0xA;
	s2 =	sadd.s32 s3, s2  }
0x8d: {  	s2 =	sadd.s32 s2, s17  }
0x8e: {  	[smem:$0x3FC6] =	sst s2  }
0x8f: {  	_ = 	snop  }
0x90: {  	s2 =	sld [smem:$0x3FD0];
	(tm) =	ssettm $0x1  }
0x91: {  	s18 =	sld [smem:$0x3FFB];
	_ =	sdelay $0x3  }
0x92: {  	_ =	strace s18  }
0x93: {  	s3 =	sld [smem:$0x3FFC];
	_ =	sdelay $0x3  }
0x94: {  	_ =	strace s3  }
0x95: {  	s3 =	sld [smem:$0x3FFD];
	_ =	sdelay $0x3  }
0x96: {  	_ =	strace s3  }
0x97: {  	_ =	strace $0x8FFFFFFF  }
0x98: {  	s19 =	sld [smem:$0x3FDB];
	_ =	sdelay $0x1  }
0x99: {  	s4 =	simm.s32 $_scs_section_size  }
0x9a: {  	s5 =	simm.s32 $_size__tile_overlayer_lowered;
	s6 =	simm.s32 $_tile_overlayer_lowered  }
0x9b: {  	s22 =	simm.s32 $0x1BFF;
	s21 =	sshll.u32 s6, $0x1;
	s3 =	sadd.s32 s4, s19  }
0x9c: {  	s7 =	simm.s32 $0x0;
	s20 =	sshll.u32 s5, $0x1;
	s5 =	sadd.s32 s21, s3  }
0x9d: {  	[timem:s7], [sflag:s22] =	dma.local [hbm:s5], s20  }
0x9e: {  	_ =	swait.ge [sflag:s22], s20  }
0x9f: {  	s4 =	ssub.s32 $0x0, s20;
	[sflag:s22] =	ssyncset.done $0x0  }
0xa0: {  	[sflag:s22] =	ssyncadd.s32 s4;
	_ =	sdelay $0x1  }
0xa1: {  	s23 =	simm.s32 $0x1B8B  }
0xa2: {  	_ =	swait.ge [sflag:s23], $0x1  }
0xa3: {  	[sflag:s23] =	ssyncset.done $0x0  }
0xa4: {  	s25 =	simm.s32 $0x1B8E;
	s24 =	sld [smem:$0x3FFE];
	[sflag:s23] =	ssyncadd.s32 $0xFFFFFFFF  }
0xa5: {  	s26 =	simm.s32 $execute0_lowered;
	[smem:$0x3FD2] =	sst s25  }
0xa6: {  	s5 =	sshll.u32 s26, $0x1;
	_ =	strace $0x80000046;
	[dreg:$0x1] =	wrdreg $0xFFFFFFFF  }
0xa7: {  	s28 =	simm.s32 $_size_execute0_lowered;
	s3 =	sadd.s32 s3, s5;
	[dreg:$0x0] =	wrdreg $0x0  }
0xa8: {  	s5 =	sshll.u32 s28, $0x1;
	[dreg:$0x2] =	wrdreg s3  }
0xa9: {  	[dreg:$0x3] =	wrdreg s5  }
0xaa: {  	[dreg:$0x4] =	wrdreg $0xC0  }
0xab: {  	_ =	task [dreg:s7], $0x5FFFF  }
0xac: {  	[dreg:$0x1] =	wrdreg $0xFFFFFFFF  }
0xad: {  	[dreg:$0x0] =	wrdreg $0x60  }
0xae: {  	[dreg:$0x2] =	wrdreg s2  }
0xaf: {  	[dreg:$0x3] =	wrdreg s24  }
0xb0: {  	[dreg:$0x4] =	wrdreg $0x87800  }
0xb1: {  	[dreg:$0x5] =	wrdreg $0x87A00  }
0xb2: {  	[dreg:$0x6] =	wrdreg $0x9  }
0xb3: {  	_ =	task.clear_ibuf [dreg:s7], $0x7FFFF;
	_ =	strace $0x90000046  }
0xb4: {  	s29 =	simm.s32 $0x9;
	_ =	strace $0x80000048  }
0xb5: {  	_ =	swait.ge [sflag:s29], $0x1  }
0xb6: {  	[sflag:s29] =	ssyncadd.s32 $0xFFFFFFFF  }
0xb7: {  	_ =	strace $0x90000048  }
0xb8: {  	_ =	sfence  }
0xb9: {  	s30 =	sld [smem:$0x0];
	_ =	sdelay $0x2  }
0xba: {  	s31 =	sshll.u32 s1, $0xD;
	s1 =	sshrl.u32 s1, $0x2  }
0xbb: {  	s3 =	sand.u32 $0x4000, s31;
	s1 =	sadd.s32 s1, s30  }
0xbc: {  	s0 =	sor.u32 s3, s0;
	s1 =	sshll.u32 s1, $0x11  }
0xbd: {  	s0 =	sor.u32 s1, s0  }
0xbe: {  	s0 =	sadd.s32 $0x8F2B, s0  }
0xbf: {  	[sflag:s0] =	ssyncadd.remote.s32 $0x1  }
0xc0: {  	_ =	sfence.sel $0xFFFF  }
0xc1: {  	[dreg:$0x0] =	wrdreg $0xFFFFFFFF;
	(pc) =	sbr.abs _section_cstart, $3  }
0xc2: {  	[dreg:$0x1] =	wrdreg $0xFFFFFFFF  }
0xc3: {  	_ =	task.clear_ibuf [dreg:s7], $0x2FFFF;
	_ =	strace $0x9FFFFFFF  }
0xc4: {  	(tm) =	ssettm $0x7FFFFFFF  }
0xc5: {  	_ =	shalt  }
tec
execute0_lowered:
.L_overlay_start_1:
0x0: {  	(tag) =	ssettag $0x1  }
0x1: {  	v1 =	vimm.s32 $0xFEDCBA98;
	v0 =	vlaneseq.u32  }
0x2: {  	v4 =	vimm.s32 $0x76543210;
	s7 =	rddreg [dreg:$0x0];
	v6 =	vimm.s32 $0x32107654;
	v7 =	vimm.s32 $0xDCFE98BA  }
0x3: {  	s8 =	rddreg [dreg:$0x1];
	v8 =	vimm.s32 $0x54761032;
	v9 =	vimm.s32 $0xEFCDAB89;
	v10 =	vimm.s32 $0x67452301  }
0x4: {  	s3 =	rddreg [dreg:$0x2];
	v3 =	vunpack.c.l.s4.s8 v1;
	v4 =	vunpack.c.l.s4.s8 v4;
	v6 =	vunpack.c.l.s4.s8 v6  }
0x5: {  	s0 =	stileid.u32;
	s5 =	rddreg [dreg:$0x3];
	v7 =	vunpack.c.l.s4.s8 v7;
	v8 =	vunpack.c.l.s4.s8 v8;
	v9 =	vunpack.c.l.s4.s8 v9  }
0x6: {  	s9 =	srdreg.scid;
	s6 =	simm.s32 $0x0;
	s1 =	sshll.u32 s0, $0x5;
	v10 =	vunpack.c.l.s4.s8 v10;
	v5 =	vunpack.c.0.s8.s32 v3;
	v3 =	vimm.s32 $0xBA98FEDC  }
0x7: {  	s13 =	simm.s32 $0x8600;
	s14 =	simm.s32 $0x8680;
	s16 =	simm.s32 $0x0;
	v1 =	vor.u32 s1, v0;
	v7 =	vunpack.c.0.s8.s32 v7;
	v3 =	vunpack.c.l.s4.s8 v3  }
0x8: {  	s15 =	sand.u32 $0x1, s9;
	[smem:$0x7FF] =	sst s6;
	s2 =	sor.u32 $0x10, s1;
	v8 =	vunpack.c.0.s8.s32 v8;
	v9 =	vunpack.c.0.s8.s32 v9;
	v10 =	vunpack.c.0.s8.s32 v10  }
.Ltmp0:
0x9: {  	s30 =	sshll.u32 s0, $0xB;
	s10 =	ssub.s32 $0x2, s15;
	v2 =	vor.u32 s2, v0;
	v6 =	vunpack.c.0.s8.s32 v6;
	v3 =	vunpack.c.0.s8.s32 v3;
	(pc) =	sbr.rel .LBB2_1-.Ltmp0, $4  }
0xa: {  	_ =	strace $0x80000047;
	s11 =	sadd.s32 s30, s8;
	s7 =	sadd.s32 s7, s30;
	v12 =	vand.u32 $0xF, v5;
	v8 =	vcombine.low v8, v7;
	v9 =	vcombine.low v10, v9  }
0xb: {  	s8 =	sadd.s32 s1, s3;
	s9 =	sadd.s32 s1, s5;
	s31 =	sshrl.u32 s10, $0x1;
	v5 =	vimm.s32 $0xFFFFFFFF;
	v11 =	vcombine.low v6, v3;
	v6 =	vunpack.c.0.s8.s32 v4  }
0xc: {  	p0 =	sne.s32 s15, $0x0;
	s15 =	simm.s32 $0x4000;
	s12 =	ssub.s32 s10, s31;
	v8 =	vand.u32 $0xF, v8;
	v9 =	vand.u32 $0xF, v9;
	v3 =	vimm.f32 $1.000000000e+00  }
0xd: {  	s10 =	sadd.s32 $0x600, s11;
	s11 =	smax.u32 s12, $0x1;
	s12 =	simm.s32 $0x1;
	v4 =	vimm.f32 $0.0e+00;
	v6 =	vcombine.low v12, v6;
	v7 =	vand.u32 $0xF, v11  }
.LBB2_21:
0xe: {  	v10 =	vld [tilespmem:$0x8700];
	_ =	sdelay $0x4  }
0xf: {  	v11 =	vmul.u32 $0x200, v0;
	vm0 =	vgt.s32 v10, $0x0  }
0x10: {  	vm1 =	vgt.s32 v10, $0xFFFFFFFF;
	v10 =	vnsel vm0, $0x0, v10  }
0x11: {  	v10 =	vadd.s32 v11, v10;
	_ =	sdelay $0x4  }
0x12: {  	v12 =	vld.idx.msk [tilespmem:v10+s6+$0x0], vm1;
	_ =	sdelay $0x4  }
0x13: {  	[tilespmem:v10+s15+$0x0] =	vst.idx.msk vm1, v12  }
0x14: {  	v10 =	vld [tilespmem:$0x8710];
	_ =	sdelay $0x4  }
0x15: {  	vm14 =	vgt.s32 v10, $0x0  }
0x16: {  	v11 =	vor.u32 $0x2000, v11;
	vm15 =	vgt.s32 v10, $0xFFFFFFFF;
	v10 =	vnsel vm14, $0x0, v10  }
0x17: {  	v10 =	vadd.s32 v11, v10;
	_ =	sdelay $0x4  }
0x18: {  	v11 =	vld.idx.msk [tilespmem:v10+s6+$0x0], vm15;
	_ =	sdelay $0x3  }
0x19: {  	s16 =	sadd.s32 $0x1, s16  }
0x1a: {  	s4 =	simm.s32 @!p0 $0x0;
	s17 =	simm.s32 @!p0 $0x4000;
	p1 =	sne.s32 s16, s11;
	[tilespmem:v10+s15+$0x0] =	vst.idx.msk vm15, v11  }
0x1b: {  	[hbm4b:s10+s4] =	stream.linear.scatter @!p0 [tilespmem:s17], [sflag:$0x1], $0x4000, $0x38;
	[tilespmem:$0x87C0] =	vst v63  }
.Ltmp1:
0x1c: {  	_ = 	snop;
	(pc) =	sbr.rel @!p1 .LBB2_22-.Ltmp1, $4  }
0x1d: {  	s4 =	simm.s32 @!p0 $0x1  }
0x1e: {  	_ =	swait.ge @!p0 [sflag:s4], $0x4000  }
0x1f: {  	[sflag:s4] =	ssyncset.done @!p0 $0x0  }
0x20: {  	[sflag:s4] =	ssyncadd.s32 @!p0 $0xFFFFC000  }
.LBB2_1:
0x21: {  	[tilespmem:s6], [sflag:$0x1] =	stream.linear.gather [hbm4b:s7+s6], $0x4000, $0x38;
	[tilespmem:$0x87C0] =	vst v63  }
0x22: {  	_ =	swait.ge [sflag:s12], $0x4000  }
0x23: {  	[sflag:s12] =	ssyncset.done $0x0  }
0x24: {  	[sflag:s12] =	ssyncadd.s32 $0xFFFFC000  }
0x25: {  	[tilespmem:$0x8000] =	vst v3  }
0x26: {  	[tilespmem:$0x8010] =	vst v3  }
0x27: {  	[tilespmem:$0x8020] =	vst v3  }
0x28: {  	[tilespmem:$0x8030] =	vst v3  }
0x29: {  	[tilespmem:$0x8040] =	vst v3  }
0x2a: {  	[tilespmem:$0x8050] =	vst v3  }
0x2b: {  	[tilespmem:$0x8060] =	vst v3  }
0x2c: {  	[tilespmem:$0x8070] =	vst v3  }
0x2d: {  	[tilespmem:$0x8080] =	vst v3  }
0x2e: {  	[tilespmem:$0x8090] =	vst v3  }
0x2f: {  	[tilespmem:$0x80A0] =	vst v3  }
0x30: {  	[tilespmem:$0x80B0] =	vst v3  }
0x31: {  	[tilespmem:$0x80C0] =	vst v3  }
0x32: {  	[tilespmem:$0x80D0] =	vst v3  }
0x33: {  	[tilespmem:$0x80E0] =	vst v3  }
0x34: {  	[tilespmem:$0x80F0] =	vst v3  }
0x35: {  	[tilespmem:$0x8100] =	vst v3  }
0x36: {  	[tilespmem:$0x8110] =	vst v3  }
0x37: {  	[tilespmem:$0x8120] =	vst v3  }
0x38: {  	[tilespmem:$0x8130] =	vst v3  }
0x39: {  	[tilespmem:$0x8140] =	vst v3  }
0x3a: {  	[tilespmem:$0x8150] =	vst v3  }
0x3b: {  	[tilespmem:$0x8160] =	vst v3  }
0x3c: {  	[tilespmem:$0x8170] =	vst v3  }
0x3d: {  	[tilespmem:$0x8180] =	vst v3  }
0x3e: {  	[tilespmem:$0x8190] =	vst v3  }
0x3f: {  	[tilespmem:$0x81A0] =	vst v3  }
0x40: {  	[tilespmem:$0x81B0] =	vst v3  }
0x41: {  	[tilespmem:$0x81C0] =	vst v3  }
0x42: {  	[tilespmem:$0x81D0] =	vst v3  }
0x43: {  	[tilespmem:$0x81E0] =	vst v3  }
0x44: {  	s17 =	simm.s32 $0x4040;
	[tilespmem:$0x81F0] =	vst v3  }
0x45: {  	[tilespmem:s17+$0xFFFFFFC0] =	vst v4  }
0x46: {  	[tilespmem:s17+$0x30] =	vst v4  }
0x47: {  	[tilespmem:s17+$0x20] =	vst v4  }
0x48: {  	[tilespmem:s17+$0x10] =	vst v4  }
0x49: {  	[tilespmem:s17+$0x0] =	vst v4  }
0x4a: {  	[tilespmem:s17+$0xFFFFFFF0] =	vst v4  }
0x4b: {  	s18 =	simm.s32 $0x0;
	[tilespmem:s17+$0xFFFFFFE0] =	vst v4  }
.LBB2_2:
0x4c: {  	s18 =	sadd.s32 $0x8, s18;
	[tilespmem:s17+$0xFFFFFFD0] =	vst v4;
	s17 =	sadd.s32 $0x80, s17  }
0x4d: {  	[tilespmem:s17+$0xFFFFFFC0] =	vst v4;
	p1 =	slt.u32 s18, $0x3F8  }
0x4e: {  	[tilespmem:s17+$0x30] =	vst v4  }
.Ltmp2:
0x4f: {  	[tilespmem:s17+$0x20] =	vst v4;
	(pc) =	sbr.rel @p1 .LBB2_2-.Ltmp2, $4  }
0x50: {  	[tilespmem:s17+$0x10] =	vst v4  }
0x51: {  	[tilespmem:s17+$0x0] =	vst v4  }
0x52: {  	[tilespmem:s17+$0xFFFFFFF0] =	vst v4  }
0x53: {  	[tilespmem:s17+$0xFFFFFFE0] =	vst v4  }
.Ltmp3:
0x54: {  	(pc) =	sbr.rel .LBB2_4-.Ltmp3, $4  }
0x55: {  	_ = 	snop  }
0x56: {  	[tilespmem:s17+$0xFFFFFFD0] =	vst v4  }
0x57: {  	[tilespmem:$0x8700] =	vst v5  }
0x58: {  	s17 =	simm.s32 $0x0;
	p2 =	por $0x1, $0x1;
	[tilespmem:$0x8710] =	vst v5  }
.LBB2_20:
0x59: {  	s17 =	sadd.s32 $0x1, s17  }
0x5a: {  	p3 =	sne.s32 s17, $0x100  }
.Ltmp4:
0x5b: {  	_ = 	snop;
	(pc) =	sbr.rel @!p3 .LBB2_21-.Ltmp4, $2  }
0x5c: {  	_ =	sdelay $0x2  }
0x5d: {  	p2 =	por p1, p1  }
.LBB2_4:
.Ltmp5:
0x5e: {  	(pc) =	sbr.rel @!p2 .LBB2_20-.Ltmp5, $2  }
0x5f: {  	_ =	sdelay $0x2  }
0x60: {  	p1 =	por $0x0, $0x0  }
0x61: {  	v10 =	vld [tilespmem:s1+$0x8000];
	_ =	sdelay $0x4  }
0x62: {  	vm0 =	vgt.f32 v10, $0.0e+00;
	v10 =	vimm.f32 $0.0e+00  }
0x63: {  	v11 =	vsel vm0, $0x3F800000, v10  }
0x64: {  	(xrf0) =	vmax.scan.msk.f32 $0xffff, v11;
	_ =	sdelay $0x5  }
0x65: {  	v11, _, _ =	vpop (xrf0)  }
0x66: {  	(v2sf) =	vpush v11, $0xF;
	_ =	sdelay $0xe  }
0x67: {  	s18 =	spop (v2sf)  }
0x68: {  	p1 =	sgt.f32 s18, $0.0e+00  }
.Ltmp6:
0x69: {  	_ = 	snop;
	(pc) =	sbr.rel @p1 .LBB2_6-.Ltmp6, $2  }
0x6a: {  	_ =	sdelay $0x2  }
0x6b: {  	v12 =	vimm.s32 $0x0;
	v13 =	vimm.f32 $0.0e+00;
	v11 =	vimm.s32 $0x0;
	s18 =	simm.s32 $0x0  }
.LBB2_11:
0x6c: {  	[tilespmem:$0x8600] =	vst v13  }
0x6d: {  	[tilespmem:$0x8680] =	vst v12  }
0x6e: {  	v12 =	vld [tilespmem:s1+$0x8010];
	_ =	sdelay $0x4  }
0x6f: {  	vm0 =	vgt.f32 v12, $0.0e+00  }
0x70: {  	v12 =	vsel vm0, $0x3F800000, v10  }
0x71: {  	(xrf0) =	vmax.scan.msk.f32 $0xffff, v12;
	_ =	sdelay $0x5  }
0x72: {  	v12, _, _ =	vpop (xrf0)  }
0x73: {  	(v2sf) =	vpush v12, $0xF;
	_ =	sdelay $0xe  }
0x74: {  	s4 =	spop (v2sf)  }
0x75: {  	p1 =	sgt.f32 s4, $0.0e+00  }
.Ltmp7:
0x76: {  	_ = 	snop;
	(pc) =	sbr.rel @p1 .LBB2_12-.Ltmp7, $2  }
0x77: {  	_ =	sdelay $0x2  }
0x78: {  	s18 =	simm.s32 $0x0  }
.LBB2_17:
0x79: {  	[tilespmem:$0x8610] =	vst v10  }
0x7a: {  	[tilespmem:$0x8690] =	vst v11  }
0x7b: {  	[spmem:s8] =	stream.linear.scatter [tilespmem:s13], [sflag:$0x1], $0x20, $0x38;
	[tilespmem:$0x87C0] =	vst v63  }
0x7c: {  	_ =	swait.ge [sflag:s12], $0x20  }
0x7d: {  	[sflag:s12] =	ssyncset.done $0x0  }
0x7e: {  	[sflag:s12] =	ssyncadd.s32 $0xFFFFFFE0  }
0x7f: {  	[spmem:s9] =	stream.linear.scatter [tilespmem:s14], [sflag:$0x1], $0x20, $0x38;
	[tilespmem:$0x87C0] =	vst v63  }
0x80: {  	_ =	swait.ge [sflag:s12], $0x20  }
0x81: {  	[sflag:s12] =	ssyncset.done $0x0  }
0x82: {  	[sflag:s12] =	ssyncadd.s32 $0xFFFFFFE0  }
0x83: {  	s18 =	simm.s32 $0x8200;
	[bflag:$0x0] =	sbarrier.arrive $0xFFFF  }
0x84: {  	[tilespmem:s18], [sflag:$0x1] =	stream.linear.gather [spmem:s3], $0x200, $0x38;
	[tilespmem:$0x87C0] =	vst v63  }
0x85: {  	_ =	swait.ge [sflag:s12], $0x200  }
0x86: {  	[sflag:s12] =	ssyncset.done $0x0  }
0x87: {  	s19 =	simm.s32 $0x8400;
	[sflag:s12] =	ssyncadd.s32 $0xFFFFFE00  }
0x88: {  	[tilespmem:s19], [sflag:$0x1] =	stream.linear.gather [spmem:s5], $0x200, $0x38;
	[tilespmem:$0x87C0] =	vst v63  }
0x89: {  	_ =	swait.ge [sflag:s12], $0x200  }
0x8a: {  	[sflag:s12] =	ssyncset.done $0x0  }
0x8b: {  	[sflag:s12] =	ssyncadd.s32 $0xFFFFFE00  }
0x8c: {  	[bflag:$0x0] =	sbarrier.arrive $0xFFFF  }
0x8d: {  	v10 =	vld [tilespmem:s18+$0x0];
	_ =	sdelay $0x4  }
0x8e: {  	vm0 =	vgt.f32 v10, $0.0e+00  }
0x8f: {  	v11 =	vsel vm0, $0x3F800000, v4  }
0x90: {  	(xrf0) =	vmax.scan.msk.f32 $0xffff, v11;
	_ =	sdelay $0x5  }
0x91: {  	v11, _, _ =	vpop (xrf0)  }
0x92: {  	(v2sf) =	vpush v11, $0xF;
	_ =	sdelay $0xe  }
0x93: {  	s4 =	spop (v2sf)  }
0x94: {  	p2 =	sgt.f32 s4, $0.0e+00;
	_ =	sdelay $0x1  }
0x95: {  	v11 =	vld @p2 [tilespmem:s19+$0x0];
	_ =	sdelay $0x6  }
0x96: {  	s4 =	simm.s32 @p2 $0x8400  }
0x97: {  	v11 =	vld.idx.msk @p2 [tilespmem:v11+s4+$0x0], $0xffff  }
0x98: {  	s20 =	simm.s32 $0x8000  }
0x99: {  	v12 =	vld @p2 [tilespmem:s20+$0x0]  }
0x9a: {  	v13 =	vlaneseq.u32 @p2;
	s4 =	simm.s32 $0x0  }
0x9b: {  	v13 =	vor.u32 @p2 s4, v13  }
0x9c: {  	vm1 =	vgt.f32 @p2 v10, $0.0e+00;
	vm0 =	veq.s32 @p2 v11, v13;
	v11 =	vimm.f32 $0.0e+00  }
0x9d: {  	v10 =	vmax.f32 @p2 v11, v10;
	vm0 =	vmand @p2 vm1, vm0  }
0x9e: {  	s21 =	simm.s32 $0x10;
	s22 =	simm.s32 $0x8010;
	v10 =	vpsel p2, v10, v11;
	v11 =	vsel @p2 vm0, $0x0, v12  }
.LBB2_18:
0x9f: {  	s18 =	sadd.s32 $0x10, s18;
	s19 =	sadd.s32 $0x10, s19  }
0xa0: {  	[tilespmem:s20+$0x0] =	vst @p2 v11;
	s4 =	smov.u32 s21;
	s21 =	sadd.s32 $0x10, s21;
	s20 =	smov.u32 s22  }
0xa1: {  	v11 =	vld [tilespmem:s18+$0x0];
	p1 =	sne.s32 s21, $0x200;
	_ =	sdelay $0x4  }
0xa2: {  	vm0 =	vgt.f32 v11, $0.0e+00  }
0xa3: {  	v12 =	vsel vm0, $0x3F800000, v4  }
0xa4: {  	(xrf0) =	vmax.scan.msk.f32 $0xffff, v12;
	_ =	sdelay $0x5  }
0xa5: {  	v12, _, _ =	vpop (xrf0)  }
0xa6: {  	(v2sf) =	vpush v12, $0xF;
	_ =	sdelay $0xe  }
0xa7: {  	s23 =	spop (v2sf)  }
0xa8: {  	p2 =	sgt.f32 s23, $0.0e+00;
	_ =	sdelay $0x1  }
0xa9: {  	vm0 =	vgt.f32 @p2 v11, $0.0e+00;
	v12 =	vld @p2 [tilespmem:s19+$0x0];
	v13 =	vlaneseq.u32 @p2;
	v11 =	vmax.f32 @p2 v10, v11  }
0xaa: {  	v13 =	vor.u32 @p2 s4, v13;
	v10 =	vpsel p2, v11, v10;
	_ =	sdelay $0x5  }
0xab: {  	s4 =	simm.s32 @p2 $0x8400  }
0xac: {  	v11 =	vld.idx.msk @p2 [tilespmem:v12+s4+$0x0], $0xffff;
	_ =	sdelay $0x2  }
0xad: {  	v12 =	vld @p2 [tilespmem:s22+$0x0]  }
.Ltmp8:
0xae: {  	(pc) =	sbr.rel @p1 .LBB2_18-.Ltmp8, $4  }
0xaf: {  	_ = 	snop  }
0xb0: {  	vm1 =	veq.s32 @p2 v11, v13  }
0xb1: {  	vm0 =	vmand @p2 vm0, vm1  }
0xb2: {  	s22 =	sadd.s32 $0x10, s22;
	v11 =	vsel @p2 vm0, $0x0, v12  }
0xb3: {  	[tilespmem:s20+$0x0] =	vst @p2 v11  }
0xb4: {  	v11 =	vld [tilespmem:s1+$0x8200];
	_ =	sdelay $0x3  }
0xb5: {  	vm0 =	vgt.f32 v10, $0.0e+00  }
0xb6: {  	v10 =	vsel vm0, $0x3F800000, v4;
	vm14 =	vgt.f32 v11, $0.0e+00  }
0xb7: {  	(xrf0) =	vmax.scan.msk.f32 $0xffff, v10;
	v10 =	vsel vm14, $0x3F800000, v4  }
0xb8: {  	(xrf0) =	vmax.scan.msk.f32 $0xffff, v10;
	_ =	sdelay $0x4  }
0xb9: {  	v10, _, _ =	vpop (xrf0)  }
0xba: {  	(v2sf) =	vpush v10, $0xF;
	v10, _, _ =	vpop (xrf0)  }
0xbb: {  	(v2sf) =	vpush v10, $0xF;
	_ =	sdelay $0xd  }
0xbc: {  	s4 =	spop (v2sf)  }
0xbd: {  	s18 =	spop (v2sf)  }
0xbe: {  	p1 =	sgt.f32 s18, $0.0e+00;
	_ =	sdelay $0x1  }
0xbf: {  	v10 =	vld @p1 [tilespmem:s1+$0x8400];
	_ =	sdelay $0x6  }
0xc0: {  	s18 =	simm.s32 @p1 $0x8400  }
0xc1: {  	v12 =	vld.idx.msk @p1 [tilespmem:v10+s18+$0x0], $0xffff;
	_ =	sdelay $0x1  }
0xc2: {  	v13 =	vld @p1 [tilespmem:$0x8700];
	_ =	sdelay $0x2  }
0xc3: {  	vm0 =	vgt.f32 @p1 v11, $0.0e+00;
	vm1 =	veq.s32 @p1 v12, v1  }
0xc4: {  	vm0 =	vmand @p1 vm0, vm1  }
0xc5: {  	v10 =	vsel @p1 vm0, v10, v13  }
0xc6: {  	[tilespmem:$0x8700] =	vst @p1 v10  }
0xc7: {  	v10 =	vld [tilespmem:s2+$0x8200];
	_ =	sdelay $0x4  }
0xc8: {  	vm15 =	vgt.f32 v10, $0.0e+00  }
0xc9: {  	v11 =	vsel vm15, $0x3F800000, v4  }
0xca: {  	(xrf0) =	vmax.scan.msk.f32 $0xffff, v11;
	_ =	sdelay $0x5  }
0xcb: {  	v11, _, _ =	vpop (xrf0)  }
0xcc: {  	(v2sf) =	vpush v11, $0xF;
	_ =	sdelay $0xe  }
0xcd: {  	s31 =	spop (v2sf)  }
0xce: {  	p2 =	sgt.f32 s31, $0.0e+00;
	_ =	sdelay $0x1  }
0xcf: {  	v11 =	vld @p2 [tilespmem:s2+$0x8400];
	_ =	sdelay $0x6  }
0xd0: {  	s18 =	simm.s32 @p2 $0x8400  }
0xd1: {  	v12 =	vld.idx.msk @p2 [tilespmem:v11+s18+$0x0], $0xffff;
	_ =	sdelay $0x1  }
0xd2: {  	v13 =	vld @p2 [tilespmem:$0x8710];
	_ =	sdelay $0x1  }
.Ltmp9:
0xd3: {  	_ = 	snop;
	(pc) =	sbr.rel .LBB2_20-.Ltmp9, $4  }
0xd4: {  	vm0 =	vgt.f32 @p2 v10, $0.0e+00;
	vm1 =	veq.s32 @p2 v12, v2  }
0xd5: {  	vm0 =	vmand @p2 vm0, vm1  }
0xd6: {  	v10 =	vsel @p2 vm0, v11, v13  }
0xd7: {  	p1 =	sgt.f32 s4, $0.0e+00;
	[tilespmem:$0x8710] =	vst @p2 v10  }
.LBB2_9:
0xd8: {  	v15 =	vmul.f32 v15, v18;
	s4 =	sadd.s32 s31, s24;
	v56 =	vld [tilespmem:s28+$0x10];
	vm2 =	vgt.f32 v20, v22  }
0xd9: {  	v23 =	vld [tilespmem:s4+$0x0];
	v20 =	vsel vm2, v20, v22  }
0xda: {  	v14 =	vmul.f32 v14, v17;
	vm3 =	vgt.f32 v15, v20  }
0xdb: {  	v57 =	vor.u32 s23, v0;
	v59 =	vor.u32 s20, v0;
	v15 =	vsel vm3, v15, v20  }
0xdc: {  	v16 =	vmul.f32 v16, v19;
	v58 =	vsel vm2, v57, v21;
	vm2 =	vgt.f32 v14, v15  }
0xdd: {  	v17 =	vsel vm3, v59, v58;
	v14 =	vsel vm2, v14, v15  }
0xde: {  	v15 =	vor.u32 s21, v0;
	vm3 =	vgt.f32 v16, v14;
	v18 =	vmul.f32 v56, v23  }
0xdf: {  	v60 =	vor.u32 s22, v0;
	v15 =	vsel vm2, v15, v17;
	v14 =	vsel vm3, v16, v14  }
0xe0: {  	v61 =	vor.u32 s26, v0;
	v15 =	vsel vm3, v60, v15;
	vm2 =	vgt.f32 v18, v14  }
0xe1: {  	v14 =	vsel vm2, v18, v14;
	v15 =	vsel vm2, v61, v15  }
0xe2: {  	v62 =	vperm.xlane v14, v6;
	v63 =	vperm.xlane v15, v6;
	_ =	sdelay $0x1  }
0xe3: {  	vm2 =	veq.f32 v62, v14;
	vm3 =	vlt.s32 v63, v15  }
0xe4: {  	vm4 =	vgt.f32 v62, v14;
	vm2 =	vmand vm2, vm3  }
0xe5: {  	vm2 =	vmor vm4, vm2  }
0xe6: {  	v14 =	vsel vm2, v62, v14;
	v15 =	vsel vm2, v63, v15  }
0xe7: {  	v16 =	vperm.xlane v14, v7;
	v17 =	vperm.xlane v15, v7;
	_ =	sdelay $0x1  }
0xe8: {  	vm2 =	veq.f32 v16, v14;
	vm3 =	vlt.s32 v17, v15  }
0xe9: {  	vm13 =	vgt.f32 v16, v14;
	vm2 =	vmand vm2, vm3  }
0xea: {  	vm2 =	vmor vm13, vm2  }
0xeb: {  	v14 =	vsel vm2, v16, v14;
	v15 =	vsel vm2, v17, v15  }
0xec: {  	v16 =	vperm.xlane v14, v8;
	v17 =	vperm.xlane v15, v8;
	_ =	sdelay $0x1  }
0xed: {  	vm2 =	veq.f32 v16, v14;
	vm3 =	vlt.s32 v17, v15  }
0xee: {  	vm14 =	vgt.f32 v16, v14;
	vm2 =	vmand vm2, vm3  }
0xef: {  	vm2 =	vmor vm14, vm2  }
0xf0: {  	v14 =	vsel vm2, v16, v14;
	v15 =	vsel vm2, v17, v15  }
0xf1: {  	v16 =	vperm.xlane v14, v9;
	v17 =	vperm.xlane v15, v9;
	_ =	sdelay $0x1  }
0xf2: {  	vm2 =	veq.f32 v16, v14;
	vm3 =	vlt.s32 v17, v15  }
0xf3: {  	vm15 =	vgt.f32 v16, v14;
	vm2 =	vmand vm2, vm3  }
0xf4: {  	vm2 =	vmor vm15, vm2  }
0xf5: {  	v14 =	vsel vm2, v16, v14;
	v15 =	vsel vm2, v17, v15  }
0xf6: {  	v13 =	vsel vm1, v14, v13;
	v12 =	vsel vm1, v15, v12  }
.LBB2_10:
0xf7: {  	s18 =	sadd.s32 $0x1, s18  }
0xf8: {  	p1 =	sne.s32 s18, $0x10  }
.Ltmp10:
0xf9: {  	_ = 	snop;
	(pc) =	sbr.rel @!p1 .LBB2_11-.Ltmp10, $1  }
0xfa: {  	_ =	sdelay $0x3  }
.LBB2_6:
0xfb: {  	v14 =	vmov s18  }
0xfc: {  	vm1 =	veq.s32 v14, v0  }
0xfd: {  	vm2 =	vmand vm0, vm1  }
0xfe: {  	v14 =	vsel vm2, $0x3F800000, v4  }
0xff: {  	(xrf0) =	vmax.scan.msk.f32 $0xffff, v14;
	_ =	sdelay $0x5  }
0x100: {  	v14, _, _ =	vpop (xrf0)  }
0x101: {  	(v2sf) =	vpush v14, $0xF;
	_ =	sdelay $0xe  }
0x102: {  	s19 =	spop (v2sf)  }
0x103: {  	p1 =	sgt.f32 s19, $0.0e+00  }
.Ltmp11:
0x104: {  	_ = 	snop;
	(pc) =	sbr.rel @!p1 .LBB2_10-.Ltmp11, $1  }
0x105: {  	_ =	sdelay $0x3  }
0x106: {  	s19 =	sshll.u32 s18, $0x9;
	s22 =	simm.s32 $0x0  }
0x107: {  	s19 =	sand.u32 $0x3FFFFE00, s19;
	s20 =	sand.u32 $0x180, s22  }
0x108: {  	s21 =	simm.s32 $0x8020;
	s23 =	sand.u32 $0x40, s22;
	s24 =	sadd.s32 s20, s19  }
0x109: {  	s25 =	simm.s32 $0x10;
	v14 =	vld [tilespmem:s21+$0xFFFFFFE0];
	s20 =	sadd.s32 s23, s24  }
0x10a: {  	s23 =	sand.u32 $0x50, s25;
	v15 =	vld [tilespmem:s20+$0x0]  }
0x10b: {  	s29 =	simm.s32 $0x20;
	v16 =	vld [tilespmem:s21+$0xFFFFFFF0];
	s20 =	sadd.s32 s23, s24  }
0x10c: {  	s26 =	sand.u32 $0x60, s29;
	v17 =	vld [tilespmem:s20+$0x0]  }
0x10d: {  	v19 =	vld [tilespmem:s21+$0x0];
	s23 =	simm.s32 $0x30;
	s20 =	sadd.s32 s26, s24  }
0x10e: {  	s26 =	sand.u32 $0x70, s23;
	v20 =	vld [tilespmem:s20+$0x0];
	s20 =	simm.s32 $0x40  }
0x10f: {  	v21 =	vld [tilespmem:s21+$0x10];
	s26 =	sadd.s32 s26, s24;
	s30 =	sand.u32 $0x180, s20;
	v14 =	vmul.f32 v14, v15  }
0x110: {  	v22 =	vimm.f32 $0.0e+00;
	s28 =	simm.s32 $0x8060;
	s4 =	sand.u32 $0x40, s20;
	v23 =	vld [tilespmem:s26+$0x0];
	s24 =	sadd.s32 s30, s19  }
0x111: {  	s21 =	simm.s32 $0x50;
	s4 =	sadd.s32 s4, s24;
	v15 =	vld [tilespmem:s28+$0xFFFFFFE0];
	v16 =	vmul.f32 v16, v17;
	vm2 =	vgt.f32 v14, v22  }
0x112: {  	v24 =	vor.u32 s22, v0;
	v26 =	vor.u32 s29, v0;
	v18 =	vld [tilespmem:s4+$0x0];
	s4 =	sand.u32 $0x50, s21;
	v22 =	vsel vm2, v14, v22  }
0x113: {  	s22 =	simm.s32 $0x60;
	v17 =	vimm.s32 $0x0;
	s26 =	sadd.s32 s4, s24;
	v25 =	vmul.f32 v19, v20;
	v14 =	vld [tilespmem:s28+$0xFFFFFFF0];
	vm3 =	vgt.f32 v16, v22  }
0x114: {  	v20 =	vor.u32 s25, v0;
	s4 =	sand.u32 $0x60, s22;
	v19 =	vsel vm2, v24, v17;
	v17 =	vld [tilespmem:s26+$0x0];
	v22 =	vsel vm3, v16, v22  }
0x115: {  	s29 =	simm.s32 $0x80;
	s30 =	sadd.s32 s4, s24;
	s26 =	simm.s32 $0x70;
	v24 =	vsel vm3, v20, v19;
	v16 =	vld [tilespmem:s28+$0x0];
	v20 =	vmul.f32 v21, v23;
	vm2 =	vgt.f32 v25, v22  }
0x116: {  	s25 =	simm.s32 $0x4;
	s31 =	sand.u32 $0x70, s26;
	v19 =	vld [tilespmem:s30+$0x0];
	s30 =	simm.s32 $0x80A0;
	v22 =	vsel vm2, v25, v22;
	v21 =	vsel vm2, v26, v24  }
.LBB2_8:
0x117: {  	s4 =	sand.u32 $0x180, s29;
	s25 =	sadd.s32 $0x4, s25;
	v23 =	vmul.f32 v15, v18;
	s31 =	sadd.s32 s31, s24;
	v24 =	vld [tilespmem:s28+$0x10];
	v15 =	vor.u32 s23, v0;
	vm2 =	vgt.f32 v20, v22  }
0x118: {  	s23 =	sand.u32 $0x40, s29;
	s24 =	sadd.s32 s4, s19;
	p1 =	slt.u32 s25, $0x1C;
	v25 =	vld [tilespmem:s31+$0x0];
	v20 =	vsel vm2, v20, v22;
	v21 =	vsel vm2, v15, v21  }
0x119: {  	s28 =	sadd.s32 $0x10, s29;
	v26 =	vmul.f32 v14, v17;
	v22 =	vor.u32 s20, v0;
	s4 =	sadd.s32 s23, s24;
	v15 =	vld [tilespmem:s30+$0xFFFFFFE0];
	vm2 =	vgt.f32 v23, v20;
	s23 =	smov.u32 s26  }
.Ltmp12:
0x11a: {  	s20 =	smov.u32 s29;
	v18 =	vld [tilespmem:s4+$0x0];
	s4 =	sand.u32 $0x50, s28;
	v20 =	vsel vm2, v23, v20;
	v21 =	vsel vm2, v22, v21;
	(pc) =	sbr.rel @p1 .LBB2_8-.Ltmp12, $4  }
0x11b: {  	s31 =	sadd.s32 $0x20, s29;
	v22 =	vor.u32 s21, v0;
	v23 =	vmul.f32 v16, v19;
	s21 =	smov.u32 s28;
	s4 =	sadd.s32 s4, s24;
	v14 =	vld [tilespmem:s30+$0xFFFFFFF0];
	vm2 =	vgt.f32 v26, v20  }
0x11c: {  	s28 =	smov.u32 s30;
	v17 =	vld [tilespmem:s4+$0x0];
	s4 =	sand.u32 $0x60, s31;
	v26 =	vsel vm2, v26, v20;
	v21 =	vsel vm2, v22, v21  }
0x11d: {  	v27 =	vor.u32 s22, v0;
	s26 =	sadd.s32 $0x30, s29;
	s22 =	smov.u32 s31;
	s4 =	sadd.s32 s4, s24;
	v16 =	vld [tilespmem:s30+$0x0];
	vm2 =	vgt.f32 v23, v26;
	v20 =	vmul.f32 v24, v25  }
0x11e: {  	s29 =	sadd.s32 $0x40, s29;
	s31 =	sand.u32 $0x70, s26;
	s30 =	sadd.s32 $0x40, s30;
	v19 =	vld [tilespmem:s4+$0x0];
	v22 =	vsel vm2, v23, v26;
	v21 =	vsel vm2, v27, v21  }
.Ltmp13:
0x11f: {  	_ = 	snop;
	(pc) =	sbr.rel .LBB2_9-.Ltmp13, $1  }
0x120: {  	_ =	sdelay $0x3  }
.LBB2_15:
0x121: {  	v13 =	vmul.f32 v13, v16;
	s4 =	sadd.s32 s31, s24;
	v55 =	vld [tilespmem:s28+$0x10];
	vm2 =	vgt.f32 v18, v20  }
0x122: {  	v21 =	vld [tilespmem:s4+$0x0];
	v18 =	vsel vm2, v18, v20  }
0x123: {  	v12 =	vmul.f32 v12, v15;
	vm3 =	vgt.f32 v13, v18  }
0x124: {  	v56 =	vor.u32 s23, v0;
	v13 =	vsel vm3, v13, v18  }
0x125: {  	v14 =	vmul.f32 v14, v17;
	v57 =	vsel vm2, v56, v19;
	vm2 =	vgt.f32 v12, v13  }
0x126: {  	v58 =	vor.u32 s20, v0;
	v59 =	vor.u32 s21, v0;
	v12 =	vsel vm2, v12, v13  }
0x127: {  	v15 =	vsel vm3, v58, v57;
	vm3 =	vgt.f32 v14, v12;
	v16 =	vmul.f32 v55, v21  }
0x128: {  	v60 =	vor.u32 s22, v0;
	v13 =	vsel vm2, v59, v15;
	v12 =	vsel vm3, v14, v12  }
0x129: {  	v61 =	vor.u32 s26, v0;
	v13 =	vsel vm3, v60, v13;
	vm2 =	vgt.f32 v16, v12  }
0x12a: {  	v12 =	vsel vm2, v16, v12;
	v13 =	vsel vm2, v61, v13  }
0x12b: {  	v62 =	vperm.xlane v12, v6;
	v63 =	vperm.xlane v13, v6;
	_ =	sdelay $0x1  }
0x12c: {  	vm2 =	veq.f32 v62, v12;
	vm3 =	vlt.s32 v63, v13  }
0x12d: {  	vm4 =	vgt.f32 v62, v12;
	vm2 =	vmand vm2, vm3  }
0x12e: {  	vm2 =	vmor vm4, vm2  }
0x12f: {  	v12 =	vsel vm2, v62, v12;
	v13 =	vsel vm2, v63, v13  }
0x130: {  	v14 =	vperm.xlane v12, v7;
	v15 =	vperm.xlane v13, v7;
	_ =	sdelay $0x1  }
0x131: {  	vm2 =	veq.f32 v14, v12;
	vm3 =	vlt.s32 v15, v13  }
0x132: {  	vm13 =	vgt.f32 v14, v12;
	vm2 =	vmand vm2, vm3  }
0x133: {  	vm2 =	vmor vm13, vm2  }
0x134: {  	v12 =	vsel vm2, v14, v12;
	v13 =	vsel vm2, v15, v13  }
0x135: {  	v14 =	vperm.xlane v12, v8;
	v15 =	vperm.xlane v13, v8;
	_ =	sdelay $0x1  }
0x136: {  	vm2 =	veq.f32 v14, v12;
	vm3 =	vlt.s32 v15, v13  }
0x137: {  	vm14 =	vgt.f32 v14, v12;
	vm2 =	vmand vm2, vm3  }
0x138: {  	vm2 =	vmor vm14, vm2  }
0x139: {  	v12 =	vsel vm2, v14, v12;
	v13 =	vsel vm2, v15, v13  }
0x13a: {  	v14 =	vperm.xlane v12, v9;
	v15 =	vperm.xlane v13, v9;
	_ =	sdelay $0x1  }
0x13b: {  	vm2 =	veq.f32 v14, v12;
	vm3 =	vlt.s32 v15, v13  }
0x13c: {  	vm15 =	vgt.f32 v14, v12;
	vm2 =	vmand vm2, vm3  }
0x13d: {  	vm2 =	vmor vm15, vm2  }
0x13e: {  	v12 =	vsel vm2, v14, v12;
	v13 =	vsel vm2, v15, v13  }
0x13f: {  	v10 =	vsel vm1, v12, v10;
	v11 =	vsel vm1, v13, v11  }
.LBB2_16:
0x140: {  	s18 =	sadd.s32 $0x1, s18  }
0x141: {  	p1 =	sne.s32 s18, $0x10  }
.Ltmp14:
0x142: {  	_ = 	snop;
	(pc) =	sbr.rel @!p1 .LBB2_17-.Ltmp14, $1  }
0x143: {  	_ =	sdelay $0x3  }
.LBB2_12:
0x144: {  	v12 =	vmov s18  }
0x145: {  	vm1 =	veq.s32 v12, v0  }
0x146: {  	vm2 =	vmand vm0, vm1  }
0x147: {  	v63 =	vsel vm2, $0x3F800000, v4  }
0x148: {  	(xrf0) =	vmax.scan.msk.f32 $0xffff, v63;
	_ =	sdelay $0x5  }
0x149: {  	v12, _, _ =	vpop (xrf0)  }
0x14a: {  	(v2sf) =	vpush v12, $0xF;
	_ =	sdelay $0xe  }
0x14b: {  	s4 =	spop (v2sf)  }
0x14c: {  	p1 =	sgt.f32 s4, $0.0e+00  }
.Ltmp15:
0x14d: {  	_ = 	snop;
	(pc) =	sbr.rel @!p1 .LBB2_16-.Ltmp15, $1  }
0x14e: {  	_ =	sdelay $0x3  }
0x14f: {  	s4 =	sshll.u32 s18, $0x9  }
0x150: {  	s22 =	simm.s32 $0x0;
	s4 =	sand.u32 $0x3FFFFE00, s4  }
0x151: {  	s26 =	sand.u32 $0x180, s22;
	s19 =	sadd.s32 $0x2000, s4  }
0x152: {  	s21 =	simm.s32 $0x8020;
	s20 =	sand.u32 $0x40, s22;
	s4 =	sadd.s32 s26, s19  }
0x153: {  	s25 =	simm.s32 $0x10;
	v12 =	vld [tilespmem:s21+$0xFFFFFFE0];
	s20 =	sadd.s32 s20, s4  }
0x154: {  	s23 =	sand.u32 $0x50, s25;
	v13 =	vld [tilespmem:s20+$0x0]  }
0x155: {  	s29 =	simm.s32 $0x20;
	v14 =	vld [tilespmem:s21+$0xFFFFFFF0];
	s20 =	sadd.s32 s23, s4  }
0x156: {  	s24 =	sand.u32 $0x60, s29;
	v15 =	vld [tilespmem:s20+$0x0]  }
0x157: {  	v17 =	vld [tilespmem:s21+$0x0];
	s23 =	simm.s32 $0x30;
	s20 =	sadd.s32 s24, s4  }
0x158: {  	s24 =	sand.u32 $0x70, s23;
	v18 =	vld [tilespmem:s20+$0x0];
	s20 =	simm.s32 $0x40  }
0x159: {  	v19 =	vld [tilespmem:s21+$0x10];
	s4 =	sadd.s32 s24, s4;
	s26 =	sand.u32 $0x180, s20;
	v12 =	vmul.f32 v12, v13  }
0x15a: {  	v20 =	vimm.f32 $0.0e+00;
	s28 =	simm.s32 $0x8060;
	s21 =	sand.u32 $0x40, s20;
	v21 =	vld [tilespmem:s4+$0x0];
	s24 =	sadd.s32 s26, s19  }
0x15b: {  	s26 =	sadd.s32 s21, s24;
	v13 =	vld [tilespmem:s28+$0xFFFFFFE0];
	s21 =	simm.s32 $0x50;
	v14 =	vmul.f32 v14, v15;
	vm2 =	vgt.f32 v12, v20  }
0x15c: {  	v22 =	vor.u32 s22, v0;
	v24 =	vor.u32 s29, v0;
	v16 =	vld [tilespmem:s26+$0x0];
	s26 =	sand.u32 $0x50, s21;
	v20 =	vsel vm2, v12, v20  }
0x15d: {  	s22 =	simm.s32 $0x60;
	v15 =	vimm.s32 $0x0;
	s4 =	sadd.s32 s26, s24;
	v23 =	vmul.f32 v17, v18;
	v12 =	vld [tilespmem:s28+$0xFFFFFFF0];
	vm3 =	vgt.f32 v14, v20  }
0x15e: {  	v18 =	vor.u32 s25, v0;
	s26 =	sand.u32 $0x60, s22;
	v17 =	vsel vm2, v22, v15;
	v15 =	vld [tilespmem:s4+$0x0];
	v20 =	vsel vm3, v14, v20  }
0x15f: {  	s30 =	simm.s32 $0x80A0;
	s4 =	sadd.s32 s26, s24;
	s26 =	simm.s32 $0x70;
	v22 =	vsel vm3, v18, v17;
	v14 =	vld [tilespmem:s28+$0x0];
	v18 =	vmul.f32 v19, v21;
	vm2 =	vgt.f32 v23, v20  }
0x160: {  	s29 =	simm.s32 $0x80;
	s25 =	simm.s32 $0x4;
	s31 =	sand.u32 $0x70, s26;
	v17 =	vld [tilespmem:s4+$0x0];
	v20 =	vsel vm2, v23, v20;
	v19 =	vsel vm2, v24, v22  }
.LBB2_14:
0x161: {  	s4 =	sand.u32 $0x180, s29;
	s25 =	sadd.s32 $0x4, s25;
	v21 =	vmul.f32 v13, v16;
	s31 =	sadd.s32 s31, s24;
	v22 =	vld [tilespmem:s28+$0x10];
	v13 =	vor.u32 s23, v0;
	vm2 =	vgt.f32 v18, v20  }
0x162: {  	s23 =	sand.u32 $0x40, s29;
	s24 =	sadd.s32 s4, s19;
	p1 =	slt.u32 s25, $0x1C;
	v23 =	vld [tilespmem:s31+$0x0];
	v18 =	vsel vm2, v18, v20;
	v19 =	vsel vm2, v13, v19  }
0x163: {  	s28 =	sadd.s32 $0x10, s29;
	v24 =	vmul.f32 v12, v15;
	v20 =	vor.u32 s20, v0;
	s4 =	sadd.s32 s23, s24;
	v13 =	vld [tilespmem:s30+$0xFFFFFFE0];
	vm2 =	vgt.f32 v21, v18;
	s23 =	smov.u32 s26  }
.Ltmp16:
0x164: {  	s20 =	smov.u32 s29;
	v16 =	vld [tilespmem:s4+$0x0];
	s4 =	sand.u32 $0x50, s28;
	v18 =	vsel vm2, v21, v18;
	v19 =	vsel vm2, v20, v19;
	(pc) =	sbr.rel @p1 .LBB2_14-.Ltmp16, $4  }
0x165: {  	s31 =	sadd.s32 $0x20, s29;
	v20 =	vor.u32 s21, v0;
	v21 =	vmul.f32 v14, v17;
	s21 =	smov.u32 s28;
	s4 =	sadd.s32 s4, s24;
	v12 =	vld [tilespmem:s30+$0xFFFFFFF0];
	vm2 =	vgt.f32 v24, v18  }
0x166: {  	s28 =	smov.u32 s30;
	v15 =	vld [tilespmem:s4+$0x0];
	s4 =	sand.u32 $0x60, s31;
	v24 =	vsel vm2, v24, v18;
	v19 =	vsel vm2, v20, v19  }
0x167: {  	v25 =	vor.u32 s22, v0;
	s26 =	sadd.s32 $0x30, s29;
	s22 =	smov.u32 s31;
	s4 =	sadd.s32 s4, s24;
	v14 =	vld [tilespmem:s30+$0x0];
	vm2 =	vgt.f32 v21, v24;
	v18 =	vmul.f32 v22, v23  }
0x168: {  	s29 =	sadd.s32 $0x40, s29;
	s31 =	sand.u32 $0x70, s26;
	s30 =	sadd.s32 $0x40, s30;
	v17 =	vld [tilespmem:s4+$0x0];
	v20 =	vsel vm2, v21, v24;
	v19 =	vsel vm2, v25, v19  }
.Ltmp17:
0x169: {  	_ = 	snop;
	(pc) =	sbr.rel .LBB2_15-.Ltmp17, $1  }
0x16a: {  	_ =	sdelay $0x3  }
.LBB2_22:
0x16b: {  	_ =	sfence.sel $0x180000  }
0x16c: {  	[bflag:$0x0] =	sbarrier.arrive $0xFFFF  }
0x16d: {  	_ =	strace $0x90000047  }
0x16e: {  	[bflag:$0x2] =	sbarrier.arrive $0xFFFF  }
0x16f: {  	p0 =	sne.s32 s0, $0x0;
	s0 =	rddreg [dreg:$0x4]  }
0x170: {  	s0 =	sadd.s32 @!p0 $0x100000, s0  }
0x171: {  	[sflag:s0] =	ssyncadd.tile.s32 @!p0 $0x1;
	_ =	shalt  }
.Lfunc_end2:
_tile_overlayer_lowered:
.L_overlay_start_2:
0x172: {  	(tag) =	ssettag $0x2  }
0x173: {  	s0 =	rddreg [dreg:$0x0];
	s2 =	stileid.u32  }
0x174: {  	s1 =	rddreg [dreg:$0x1];
	p0 =	sne.s32 s2, $0x0  }
0x175: {  	s3 =	rddreg [dreg:$0x2];
	[bflag:$0x3] =	sbarrier.arrive $0xFFFF;
	s2 =	simm.s32 @!p0 $0x1C01  }
0x176: {  	[timem:s3], [sflag:s2] =	dma.local @!p0 [hbm:s0], s1  }
0x177: {  	s0 =	simm.s32 @!p0 $0x1  }
0x178: {  	_ =	swait.ge @!p0 [sflag:s0], s1  }
0x179: {  	s1 =	ssub.s32 @!p0 $0x0, s1;
	[sflag:s0] =	ssyncset.done @!p0 $0x0  }
0x17a: {  	[sflag:s0] =	ssyncadd.s32 @!p0 s1  }
0x17b: {  	[bflag:$0x3] =	sbarrier.arrive $0xFFFF  }
0x17c: {  	_ =	shalt  }

</sc_bundles>
